<compile_context>
chip_gen: v7x
topology: tpu7x:2x2x1
jax: 0.10.2.dev20260603
libtpu: 0.0.44.dev20260713+nightly
codegen_flags: <defaults>
</compile_context>

<pallas_src>
import functools

import jax
import jax.numpy as jnp
from jax.experimental import pallas as pl
from jax.experimental.pallas import tpu as pltpu

_B = 2
_N_SURF = 3000
_N_NM = 1000
_N = _N_SURF + _N_NM
_NP = 4096
_HEADS = 4
_HID = 64
_FEAT = _HEADS * _HID
_OUT_CH = 2
_PBLK = 1024
_DBLK = 512
_SBLK = 256
_NDB = _NP // _DBLK
_NSB = _NP // _SBLK
_RADIUS = 0.05
_RADIUS_SQ = float(0.0025)
_TH = 0.17
_PAD_VAL = 100.0


def _head_logits(h, aw_s, aw_d):
    acols, dcols = [], []
    for hd in range(_HEADS):
        hs = h[:, hd * _HID:(hd + 1) * _HID]
        acols.append(jnp.sum(hs * aw_s[hd:hd + 1, :], axis=1, keepdims=True))
        dcols.append(jnp.sum(hs * aw_d[hd:hd + 1, :], axis=1, keepdims=True))
    return (jnp.concatenate(acols, axis=1),
            jnp.concatenate(dcols, axis=1))


def _proj_body(x_ref, w_ref, aws_ref, awd_ref, h_ref, as_ref, ad_ref):
    x = x_ref[0]
    w = w_ref[...]
    h = jnp.dot(x, w, preferred_element_type=jnp.float32)
    h_ref[0] = h
    as_ref[0], ad_ref[0] = _head_logits(h, aws_ref[...], awd_ref[...])


def _attn_body(lo_ref, hi_ref, posdt_ref, posnd_ref, h_ref, as_ref, adt_ref,
               b_ref, w_ref, p0_ref, p1_ref, *o_refs, fuse_fc):
    mk_ref = o_refs[-1]
    o_refs = o_refs[:-1]
    b = pl.program_id(0)
    j = pl.program_id(1)
    pos_dt = posdt_ref[0]
    sq_d = jnp.sum(pos_dt * pos_dt, axis=0, keepdims=True)
    ad_row = adt_ref[0]
    lo = lo_ref[b, j]
    hi = hi_ref[b, j]

    def chunk_mask(k):
        off = k * _SBLK
        pos_s = posnd_ref[0, pl.ds(off, _SBLK), :]
        sq_s = jnp.sum(pos_s * pos_s, axis=1, keepdims=True)
        dots = jnp.dot(pos_s, pos_dt, preferred_element_type=jnp.float32)
        d2 = sq_s + sq_d - 2.0 * dots
        return d2 < _RADIUS_SQ

    def masked_exp(k, mask):
        as_chunk = as_ref[0, pl.ds(k * _SBLK, _SBLK), :]
        exs = []
        for hd in range(_HEADS):
            e = as_chunk[:, hd:hd + 1] + ad_row[hd:hd + 1, :]
            e = jnp.where(e >= 0, e, 0.2 * e)
            exs.append(jnp.where(mask, jnp.exp(e), 0.0))
        return exs

    def den_chunk(k, carry):
        ls, lo1, hi1 = carry
        mask = chunk_mask(k)
        m01 = mask.astype(jnp.float32)
        mk_ref[pl.ds(k * _SBLK, _SBLK), :] = m01
        live = jnp.max(m01) > 0.0
        exs = masked_exp(k, mask)
        nls = tuple(ls[hd] + jnp.sum(exs[hd], axis=0, keepdims=True)
                    for hd in range(_HEADS))
        lo1 = jnp.where(live, jnp.minimum(lo1, k), lo1)
        hi1 = jnp.where(live, jnp.maximum(hi1, k), hi1)
        return nls, lo1, hi1

    ls, lo1, hi1 = jax.lax.fori_loop(
        lo, hi + 1, den_chunk,
        (tuple(jnp.zeros((1, _DBLK), jnp.float32) for _ in range(_HEADS)),
         jnp.int32(_NSB), jnp.int32(-1)))
    dens = [ls[hd] + 1e-16 for hd in range(_HEADS)]

    def agg_chunk(k, accs):
        off = k * _SBLK
        exs = masked_exp(k, mk_ref[pl.ds(off, _SBLK), :] > 0.0)
        h_chunk = h_ref[0, pl.ds(off, _SBLK), :]
        na = []
        for hd in range(_HEADS):
            alpha = exs[hd] / dens[hd]
            hc = h_chunk[:, hd * _HID:(hd + 1) * _HID]
            contrib = jax.lax.dot_general(
                hc, alpha, (((0,), (0,)), ((), ())),
                preferred_element_type=jnp.float32)
            na.append(accs[hd] + contrib)
        return tuple(na)

    accs = jax.lax.fori_loop(
        lo1, hi1 + 1, agg_chunk,
        tuple(jnp.zeros((_HID, _DBLK), jnp.float32) for _ in range(_HEADS)))

    out = jnp.concatenate(
        [jnp.transpose(accs[hd]) for hd in range(_HEADS)],
        axis=1)
    out = jnp.maximum(out + b_ref[...], 0.0)
    if fuse_fc:
        y = jnp.dot(out, w_ref[...],
                    preferred_element_type=jnp.float32) + p0_ref[...]
        o_refs[0][0] = y
    else:
        h2 = jnp.dot(out, w_ref[...], preferred_element_type=jnp.float32)
        o_refs[0][0] = h2
        o_refs[1][0], o_refs[2][0] = _head_logits(h2, p0_ref[...], p1_ref[...])


def _proj(x, w, aw_s, aw_d):
    cin = x.shape[-1]
    return pl.pallas_call(
        _proj_body,
        grid=(_B, _NP // _PBLK),
        in_specs=[
            pl.BlockSpec((1, _PBLK, cin), lambda b, j: (b, j, 0)),
            pl.BlockSpec((cin, _FEAT), lambda b, j: (0, 0)),
            pl.BlockSpec((_HEADS, _HID), lambda b, j: (0, 0)),
            pl.BlockSpec((_HEADS, _HID), lambda b, j: (0, 0)),
        ],
        out_specs=[
            pl.BlockSpec((1, _PBLK, _FEAT), lambda b, j: (b, j, 0)),
            pl.BlockSpec((1, _PBLK, _HEADS), lambda b, j: (b, j, 0)),
            pl.BlockSpec((1, _PBLK, _HEADS), lambda b, j: (b, j, 0)),
        ],
        out_shape=[
            jax.ShapeDtypeStruct((_B, _NP, _FEAT), jnp.float32),
            jax.ShapeDtypeStruct((_B, _NP, _HEADS), jnp.float32),
            jax.ShapeDtypeStruct((_B, _NP, _HEADS), jnp.float32),
        ],
        compiler_params=pltpu.CompilerParams(
            dimension_semantics=("parallel", "parallel")),
    )(x, w, aw_s, aw_d)


def _attn(lo, hi, pos_t, pos_nd, h, as_, ad_t, bias, w, p0, p1, fuse_fc):
    if fuse_fc:
        wshape = (_FEAT, _OUT_CH)
        p0shape = (1, _OUT_CH)
        p1shape = (1, _OUT_CH)
        out_specs = pl.BlockSpec((1, _DBLK, _OUT_CH),
                                 lambda b, j, lo, hi: (b, j, 0))
        out_shape = jax.ShapeDtypeStruct((_B, _NP, _OUT_CH), jnp.float32)
    else:
        wshape = (_FEAT, _FEAT)
        p0shape = (_HEADS, _HID)
        p1shape = (_HEADS, _HID)
        out_specs = [
            pl.BlockSpec((1, _DBLK, _FEAT), lambda b, j, lo, hi: (b, j, 0)),
            pl.BlockSpec((1, _DBLK, _HEADS), lambda b, j, lo, hi: (b, j, 0)),
            pl.BlockSpec((1, _DBLK, _HEADS), lambda b, j, lo, hi: (b, j, 0)),
        ]
        out_shape = [
            jax.ShapeDtypeStruct((_B, _NP, _FEAT), jnp.float32),
            jax.ShapeDtypeStruct((_B, _NP, _HEADS), jnp.float32),
            jax.ShapeDtypeStruct((_B, _NP, _HEADS), jnp.float32),
        ]
    return pl.pallas_call(
        functools.partial(_attn_body, fuse_fc=fuse_fc),
        grid_spec=pltpu.PrefetchScalarGridSpec(
            num_scalar_prefetch=2,
            grid=(_B, _NDB),
            in_specs=[
                pl.BlockSpec((1, 3, _DBLK), lambda b, j, lo, hi: (b, 0, j)),
                pl.BlockSpec((1, _NP, 3), lambda b, j, lo, hi: (b, 0, 0)),
                pl.BlockSpec((1, _NP, _FEAT), lambda b, j, lo, hi: (b, 0, 0)),
                pl.BlockSpec((1, _NP, _HEADS), lambda b, j, lo, hi: (b, 0, 0)),
                pl.BlockSpec((1, _HEADS, _DBLK), lambda b, j, lo, hi: (b, 0, j)),
                pl.BlockSpec((1, _FEAT), lambda b, j, lo, hi: (0, 0)),
                pl.BlockSpec(wshape, lambda b, j, lo, hi: (0, 0)),
                pl.BlockSpec(p0shape, lambda b, j, lo, hi: (0, 0)),
                pl.BlockSpec(p1shape, lambda b, j, lo, hi: (0, 0)),
            ],
            out_specs=out_specs,
            scratch_shapes=[pltpu.VMEM((_NP, _DBLK), jnp.float32)],
        ),
        out_shape=out_shape,
        compiler_params=pltpu.CompilerParams(
            dimension_semantics=("parallel", "arbitrary")),
    )(lo, hi, pos_t, pos_nd, h, as_, ad_t, bias, w, p0, p1)


def _chunk_ranges(pos_t):
    xp = pos_t[:, 0, :]
    cs_min = xp[:, 0::_SBLK]
    cs_max = xp[:, _SBLK - 1::_SBLK]
    xd_min = xp[:, 0::_DBLK]
    xd_max = xp[:, _DBLK - 1::_DBLK]
    lo = jax.vmap(lambda a, v: jnp.searchsorted(a, v, side='left'))(
        cs_max, xd_min - _TH).astype(jnp.int32)
    hi = (jax.vmap(lambda a, v: jnp.searchsorted(a, v, side='right'))(
        cs_min, xd_max + _TH) - 1).astype(jnp.int32)
    return lo, hi


def kernel(pos, pos_non_manifold, W1, a1_src, a1_dst, b1,
           W2, a2_src, a2_dst, b2, W_fc, b_fc):
    pos_t = jnp.concatenate([pos, pos_non_manifold], axis=2)
    perm = jnp.argsort(pos_t[:, 0, :], axis=1)
    inv = jnp.argsort(perm, axis=1)
    pos_t = jnp.take_along_axis(pos_t, perm[:, None, :], axis=2)
    pos_t = jnp.pad(pos_t, ((0, 0), (0, 0), (0, _NP - _N)),
                    constant_values=_PAD_VAL)
    pos_nd = pos_t.transpose(0, 2, 1)
    pos_nd0 = pos_nd.at[:, _N:, :].set(0.0)
    lo, hi = _chunk_ranges(pos_t)

    b1r = b1.reshape(1, _FEAT)
    b2r = b2.reshape(1, _FEAT)
    bfc = b_fc.reshape(1, _OUT_CH)

    h, as_, ad = _proj(pos_nd0, W1, a1_src, a1_dst)
    h2, as2, ad2 = _attn(lo, hi, pos_t, pos_nd, h, as_,
                         ad.transpose(0, 2, 1), b1r, W2,
                         a2_src, a2_dst, fuse_fc=False)
    y = _attn(lo, hi, pos_t, pos_nd, h2, as2, ad2.transpose(0, 2, 1),
              b2r, W_fc, bfc, bfc, fuse_fc=True)

    y = jnp.take_along_axis(y[:, :_N], inv[:, :, None], axis=1)
    return y[:, _N_NM:_N].reshape(_B, _OUT_CH, _N_SURF)

# --- scband reference (transcript-rebuilt; emitter-appended) ---
"""Pipeline reference for scband-gatoccupancy-predictor-49022756716782 (READ-ONLY COPY).

The authoritative reference and input builder live on the scoring server;
editing this copy changes nothing except your own understanding.
"""

import jax, jax.numpy as jnp
import numpy as np

B = 2
N_SURF = 3000
N_NM = 1000
IN_CH = 3
HID = 64
HEADS = 4
OUT_CH = 2


def setup_inputs(seed: int = 0):
    key = jax.random.key(seed)
    ks = jax.random.split(key, 10)
    s1 = 1.0 / np.sqrt(IN_CH)
    s2 = 1.0 / np.sqrt(HID * HEADS)
    return {
        "pos": jax.random.uniform(ks[0], (B, 3, N_SURF), dtype=jnp.float32),
        "pos_non_manifold": jax.random.uniform(ks[1], (B, 3, N_NM), dtype=jnp.float32),
        "W1": jax.random.normal(ks[2], (IN_CH, HEADS * HID), dtype=jnp.float32) * s1,
        "a1_src": jax.random.normal(ks[3], (HEADS, HID), dtype=jnp.float32) * 0.1,
        "a1_dst": jax.random.normal(ks[4], (HEADS, HID), dtype=jnp.float32) * 0.1,
        "b1": jnp.zeros((HEADS * HID,), dtype=jnp.float32),
        "W2": jax.random.normal(ks[5], (HEADS * HID, HEADS * HID), dtype=jnp.float32) * s2,
        "a2_src": jax.random.normal(ks[6], (HEADS, HID), dtype=jnp.float32) * 0.1,
        "a2_dst": jax.random.normal(ks[7], (HEADS, HID), dtype=jnp.float32) * 0.1,
        "b2": jnp.zeros((HEADS * HID,), dtype=jnp.float32),
        "W_fc": jax.random.normal(ks[8], (HEADS * HID, OUT_CH), dtype=jnp.float32) * s2,
        "b_fc": jnp.zeros((OUT_CH,), dtype=jnp.float32),
    }


def _leaky_relu(x):
    return jnp.where(x >= 0, x, 0.2 * x)


def _gat_conv(x, adj, W, a_src, a_dst, bias):
    heads, out_ch = a_src.shape
    bsz, n, _ = x.shape
    h = (x @ W).reshape(bsz, n, heads, out_ch)
    alpha_src = (h * a_src[None, None, :, :]).sum(-1)
    alpha_dst = (h * a_dst[None, None, :, :]).sum(-1)
    e = _leaky_relu(alpha_src[:, :, None, :] + alpha_dst[:, None, :, :])
    mask = adj[:, :, :, None]
    m = jnp.where(mask, e, -jnp.inf).max(axis=1)
    ex = jnp.where(mask, jnp.exp(e - m[:, None, :, :]), 0.0)
    den = ex.sum(axis=1)
    alpha = ex / (den[:, None, :, :] + 1e-16)
    out = jnp.einsum('bsdh,bshc->bdhc', alpha, h)
    return out.reshape(bsz, n, heads * out_ch) + bias


def _build_adj(all_points):
    p = all_points
    sq = (p * p).sum(-1)
    d2 = sq[:, :, None] + sq[:, None, :] - 2.0 * jnp.einsum('bnc,bmc->bnm', p, p)
    d = jnp.sqrt(jnp.clip(d2, 0.0, None))
    return d < 0.05


def reference(pos, pos_non_manifold, W1, a1_src, a1_dst, b1, W2, a2_src, a2_dst, b2, W_fc, b_fc):
    all_points = jnp.concatenate([pos, pos_non_manifold], axis=2).transpose(0, 2, 1)
    bsz, n, fdim = all_points.shape
    adj = _build_adj(all_points)
    x = all_points
    x = jax.nn.relu(_gat_conv(x, adj, W1, a1_src, a1_dst, b1))
    x = jax.nn.relu(_gat_conv(x, adj, W2, a2_src, a2_dst, b2))
    x = x @ W_fc + b_fc
    x = x.reshape(bsz, n, OUT_CH)
    m_pts = pos_non_manifold.shape[2]
    return x[:, m_pts:].reshape(bsz, OUT_CH, 3000)

if __name__ == "__main__":
    import jax
    _d = setup_inputs()
    print(jax.jit(kernel)(*tuple(_d.values())))

</pallas_src>

<mosaic_0001>
module attributes {stable_mosaic.version = 14 : i64} {
  func.func @_proj_body(%arg0: i32, %arg1: i32, %arg2: memref<1x1024x3xf32, #tpu.memory_space<vmem>>, %arg3: memref<3x256xf32, #tpu.memory_space<vmem>>, %arg4: memref<4x64xf32, #tpu.memory_space<vmem>>, %arg5: memref<4x64xf32, #tpu.memory_space<vmem>>, %arg6: memref<1x1024x256xf32, #tpu.memory_space<vmem>>, %arg7: memref<1x1024x4xf32, #tpu.memory_space<vmem>>, %arg8: memref<1x1024x4xf32, #tpu.memory_space<vmem>>) attributes {dimension_semantics = [#tpu.dimension_semantics<parallel>, #tpu.dimension_semantics<parallel>], iteration_bounds = array<i64: 2, 4>, scalar_prefetch = 0 : i64, scratch_operands = 0 : i64, tpu.core_type = #tpu.core_type<tc>, window_params = [{transform_indices = @transform_0, window_bounds = array<i64: 1, 1024, 3>}, {pipeline_mode = #tpu.pipeline_mode<synchronous>, transform_indices = @transform_1, window_bounds = array<i64: 3, 256>}, {pipeline_mode = #tpu.pipeline_mode<synchronous>, transform_indices = @transform_2, window_bounds = array<i64: 4, 64>}, {pipeline_mode = #tpu.pipeline_mode<synchronous>, transform_indices = @transform_3, window_bounds = array<i64: 4, 64>}, {transform_indices = @transform_4, window_bounds = array<i64: 1, 1024, 256>}, {transform_indices = @transform_5, window_bounds = array<i64: 1, 1024, 4>}, {transform_indices = @transform_6, window_bounds = array<i64: 1, 1024, 4>}]} {
    %get3A = arith.constant 0 : index
    %get3A_0 = arith.constant 0 : index
    %get3A_1 = arith.constant 0 : index
    %get3A_2 = vector.load %arg2[%get3A, %get3A_0, %get3A_1] : memref<1x1024x3xf32, #tpu.memory_space<vmem>>, vector<1x1024x3xf32>
    %get3A_3 = vector.shape_cast %get3A_2 : vector<1x1024x3xf32> to vector<1024x3xf32>
    %get3A_4 = arith.constant 0 : index
    %get3A_5 = arith.constant 0 : index
    %get3A_6 = vector.load %arg3[%get3A_4, %get3A_5] : memref<3x256xf32, #tpu.memory_space<vmem>>, vector<3x256xf32>
    %dot_general3A = arith.constant dense<0.000000e+00> : vector<1024x256xf32>
    %dot_general3A_7 = tpu.matmul %get3A_3, %get3A_6, %dot_general3A {dimension_numbers = #tpu.dot_dimension_numbers<[1], [0], [0], [1], [0, 0, 1, 1], [], []>, transpose_lhs_hint = false} : vector<1024x3xf32>, vector<3x256xf32>, vector<1024x256xf32> -> vector<1024x256xf32>
    %swap3A = arith.constant 0 : index
    %swap3A_8 = arith.constant 0 : index
    %swap3A_9 = arith.constant 0 : index
    %swap3A_10 = vector.load %arg6[%swap3A, %swap3A_8, %swap3A_9] : memref<1x1024x256xf32, #tpu.memory_space<vmem>>, vector<1x1024x256xf32>
    %swap3A_11 = vector.shape_cast %swap3A_10 : vector<1x1024x256xf32> to vector<1024x256xf32>
    %swap3A_12 = vector.shape_cast %dot_general3A_7 : vector<1024x256xf32> to vector<1x1024x256xf32>
    tpu.vector_store %arg6[%swap3A, %swap3A_8, %swap3A_9], %swap3A_12 {strides = array<i32>} : memref<1x1024x256xf32, #tpu.memory_space<vmem>>, vector<1x1024x256xf32>,
    %get3A_13 = arith.constant 0 : index
    %get3A_14 = arith.constant 0 : index
    %get3A_15 = vector.load %arg4[%get3A_13, %get3A_14] : memref<4x64xf32, #tpu.memory_space<vmem>>, vector<4x64xf32>
    %get3A_16 = arith.constant 0 : index
    %get3A_17 = arith.constant 0 : index
    %get3A_18 = vector.load %arg5[%get3A_16, %get3A_17] : memref<4x64xf32, #tpu.memory_space<vmem>>, vector<4x64xf32>
    %slice3A = vector.extract_strided_slice %dot_general3A_7 {offsets = [0, 0], sizes = [1024, 64], strides = [1, 1]} : vector<1024x256xf32> to vector<1024x64xf32>
    %slice3A_19 = vector.extract_strided_slice %get3A_15 {offsets = [0, 0], sizes = [1, 64], strides = [1, 1]} : vector<4x64xf32> to vector<1x64xf32>
    %mul3A = vector.broadcast %slice3A_19 : vector<1x64xf32> to vector<1024x64xf32>
    %mul3A_20 = arith.mulf %slice3A, %mul3A : vector<1024x64xf32>
    %reduce_sum3A = arith.constant dense<0.000000e+00> : vector<1024xf32>
    %reduce_sum3A_21 = vector.multi_reduction <add>, %mul3A_20, %reduce_sum3A [1] : vector<1024x64xf32> to vector<1024xf32>
    %broadcast_in_dim3A = vector.shape_cast %reduce_sum3A_21 : vector<1024xf32> to vector<1024x1xf32>
    %slice3A_22 = vector.extract_strided_slice %get3A_18 {offsets = [0, 0], sizes = [1, 64], strides = [1, 1]} : vector<4x64xf32> to vector<1x64xf32>
    %mul3A_23 = vector.broadcast %slice3A_22 : vector<1x64xf32> to vector<1024x64xf32>
    %mul3A_24 = arith.mulf %slice3A, %mul3A_23 : vector<1024x64xf32>
    %reduce_sum3A_25 = arith.constant dense<0.000000e+00> : vector<1024xf32>
    %reduce_sum3A_26 = vector.multi_reduction <add>, %mul3A_24, %reduce_sum3A_25 [1] : vector<1024x64xf32> to vector<1024xf32>
    %broadcast_in_dim3A_27 = vector.shape_cast %reduce_sum3A_26 : vector<1024xf32> to vector<1024x1xf32>
    %slice3A_28 = vector.extract_strided_slice %dot_general3A_7 {offsets = [0, 64], sizes = [1024, 64], strides = [1, 1]} : vector<1024x256xf32> to vector<1024x64xf32>
    %slice3A_29 = vector.extract_strided_slice %get3A_15 {offsets = [1, 0], sizes = [1, 64], strides = [1, 1]} : vector<4x64xf32> to vector<1x64xf32>
    %mul3A_30 = vector.broadcast %slice3A_29 : vector<1x64xf32> to vector<1024x64xf32>
    %mul3A_31 = arith.mulf %slice3A_28, %mul3A_30 : vector<1024x64xf32>
    %reduce_sum3A_32 = arith.constant dense<0.000000e+00> : vector<1024xf32>
    %reduce_sum3A_33 = vector.multi_reduction <add>, %mul3A_31, %reduce_sum3A_32 [1] : vector<1024x64xf32> to vector<1024xf32>
    %broadcast_in_dim3A_34 = vector.shape_cast %reduce_sum3A_33 : vector<1024xf32> to vector<1024x1xf32>
    %slice3A_35 = vector.extract_strided_slice %get3A_18 {offsets = [1, 0], sizes = [1, 64], strides = [1, 1]} : vector<4x64xf32> to vector<1x64xf32>
    %mul3A_36 = vector.broadcast %slice3A_35 : vector<1x64xf32> to vector<1024x64xf32>
    %mul3A_37 = arith.mulf %slice3A_28, %mul3A_36 : vector<1024x64xf32>
    %reduce_sum3A_38 = arith.constant dense<0.000000e+00> : vector<1024xf32>
    %reduce_sum3A_39 = vector.multi_reduction <add>, %mul3A_37, %reduce_sum3A_38 [1] : vector<1024x64xf32> to vector<1024xf32>
    %broadcast_in_dim3A_40 = vector.shape_cast %reduce_sum3A_39 : vector<1024xf32> to vector<1024x1xf32>
    %slice3A_41 = vector.extract_strided_slice %dot_general3A_7 {offsets = [0, 128], sizes = [1024, 64], strides = [1, 1]} : vector<1024x256xf32> to vector<1024x64xf32>
    %slice3A_42 = vector.extract_strided_slice %get3A_15 {offsets = [2, 0], sizes = [1, 64], strides = [1, 1]} : vector<4x64xf32> to vector<1x64xf32>
    %mul3A_43 = vector.broadcast %slice3A_42 : vector<1x64xf32> to vector<1024x64xf32>
    %mul3A_44 = arith.mulf %slice3A_41, %mul3A_43 : vector<1024x64xf32>
    %reduce_sum3A_45 = arith.constant dense<0.000000e+00> : vector<1024xf32>
    %reduce_sum3A_46 = vector.multi_reduction <add>, %mul3A_44, %reduce_sum3A_45 [1] : vector<1024x64xf32> to vector<1024xf32>
    %broadcast_in_dim3A_47 = vector.shape_cast %reduce_sum3A_46 : vector<1024xf32> to vector<1024x1xf32>
    %slice3A_48 = vector.extract_strided_slice %get3A_18 {offsets = [2, 0], sizes = [1, 64], strides = [1, 1]} : vector<4x64xf32> to vector<1x64xf32>
    %mul3A_49 = vector.broadcast %slice3A_48 : vector<1x64xf32> to vector<1024x64xf32>
    %mul3A_50 = arith.mulf %slice3A_41, %mul3A_49 : vector<1024x64xf32>
    %reduce_sum3A_51 = arith.constant dense<0.000000e+00> : vector<1024xf32>
    %reduce_sum3A_52 = vector.multi_reduction <add>, %mul3A_50, %reduce_sum3A_51 [1] : vector<1024x64xf32> to vector<1024xf32>
    %broadcast_in_dim3A_53 = vector.shape_cast %reduce_sum3A_52 : vector<1024xf32> to vector<1024x1xf32>
    %slice3A_54 = vector.extract_strided_slice %dot_general3A_7 {offsets = [0, 192], sizes = [1024, 64], strides = [1, 1]} : vector<1024x256xf32> to vector<1024x64xf32>
    %slice3A_55 = vector.extract_strided_slice %get3A_15 {offsets = [3, 0], sizes = [1, 64], strides = [1, 1]} : vector<4x64xf32> to vector<1x64xf32>
    %mul3A_56 = vector.broadcast %slice3A_55 : vector<1x64xf32> to vector<1024x64xf32>
    %mul3A_57 = arith.mulf %slice3A_54, %mul3A_56 : vector<1024x64xf32>
    %reduce_sum3A_58 = arith.constant dense<0.000000e+00> : vector<1024xf32>
    %reduce_sum3A_59 = vector.multi_reduction <add>, %mul3A_57, %reduce_sum3A_58 [1] : vector<1024x64xf32> to vector<1024xf32>
    %broadcast_in_dim3A_60 = vector.shape_cast %reduce_sum3A_59 : vector<1024xf32> to vector<1024x1xf32>
    %slice3A_61 = vector.extract_strided_slice %get3A_18 {offsets = [3, 0], sizes = [1, 64], strides = [1, 1]} : vector<4x64xf32> to vector<1x64xf32>
    %mul3A_62 = vector.broadcast %slice3A_61 : vector<1x64xf32> to vector<1024x64xf32>
    %mul3A_63 = arith.mulf %slice3A_54, %mul3A_62 : vector<1024x64xf32>
    %reduce_sum3A_64 = arith.constant dense<0.000000e+00> : vector<1024xf32>
    %reduce_sum3A_65 = vector.multi_reduction <add>, %mul3A_63, %reduce_sum3A_64 [1] : vector<1024x64xf32> to vector<1024xf32>
    %broadcast_in_dim3A_66 = vector.shape_cast %reduce_sum3A_65 : vector<1024xf32> to vector<1024x1xf32>
    %concatenate3A = tpu.concatenate %broadcast_in_dim3A, %broadcast_in_dim3A_34, %broadcast_in_dim3A_47, %broadcast_in_dim3A_60 in 1 : vector<1024x1xf32>, vector<1024x1xf32>, vector<1024x1xf32>, vector<1024x1xf32> -> vector<1024x4xf32>
    %concatenate3A_67 = tpu.concatenate %broadcast_in_dim3A_27, %broadcast_in_dim3A_40, %broadcast_in_dim3A_53, %broadcast_in_dim3A_66 in 1 : vector<1024x1xf32>, vector<1024x1xf32>, vector<1024x1xf32>, vector<1024x1xf32> -> vector<1024x4xf32>
    %swap3A_68 = arith.constant 0 : index
    %swap3A_69 = arith.constant 0 : index
    %swap3A_70 = arith.constant 0 : index
    %swap3A_71 = vector.load %arg7[%swap3A_68, %swap3A_69, %swap3A_70] : memref<1x1024x4xf32, #tpu.memory_space<vmem>>, vector<1x1024x4xf32>
    %swap3A_72 = vector.shape_cast %swap3A_71 : vector<1x1024x4xf32> to vector<1024x4xf32>
    %swap3A_73 = vector.shape_cast %concatenate3A : vector<1024x4xf32> to vector<1x1024x4xf32>
    tpu.vector_store %arg7[%swap3A_68, %swap3A_69, %swap3A_70], %swap3A_73 {strides = array<i32>} : memref<1x1024x4xf32, #tpu.memory_space<vmem>>, vector<1x1024x4xf32>,
    %swap3A_74 = arith.constant 0 : index
    %swap3A_75 = arith.constant 0 : index
    %swap3A_76 = arith.constant 0 : index
    %swap3A_77 = vector.load %arg8[%swap3A_74, %swap3A_75, %swap3A_76] : memref<1x1024x4xf32, #tpu.memory_space<vmem>>, vector<1x1024x4xf32>
    %swap3A_78 = vector.shape_cast %swap3A_77 : vector<1x1024x4xf32> to vector<1024x4xf32>
    %swap3A_79 = vector.shape_cast %concatenate3A_67 : vector<1024x4xf32> to vector<1x1024x4xf32>
    tpu.vector_store %arg8[%swap3A_74, %swap3A_75, %swap3A_76], %swap3A_79 {strides = array<i32>} : memref<1x1024x4xf32, #tpu.memory_space<vmem>>, vector<1x1024x4xf32>,
    return
  }
  func.func @transform_0(%arg0: i32, %arg1: i32) -> (i32, i32, i32) {
    %c0_i32 = arith.constant 0 : i32
    %c0_i32_0 = arith.constant 0 : i32
    return %arg0, %arg1, %c0_i32 : i32, i32, i32
  }
  func.func @transform_1(%arg0: i32, %arg1: i32) -> (i32, i32) {
    %c0_i32 = arith.constant 0 : i32
    %c0_i32_0 = arith.constant 0 : i32
    %c0_i32_1 = arith.constant 0 : i32
    return %c0_i32, %c0_i32_0 : i32, i32
  }
  func.func @transform_2(%arg0: i32, %arg1: i32) -> (i32, i32) {
    %c0_i32 = arith.constant 0 : i32
    %c0_i32_0 = arith.constant 0 : i32
    %c0_i32_1 = arith.constant 0 : i32
    return %c0_i32, %c0_i32_0 : i32, i32
  }
  func.func @transform_3(%arg0: i32, %arg1: i32) -> (i32, i32) {
    %c0_i32 = arith.constant 0 : i32
    %c0_i32_0 = arith.constant 0 : i32
    %c0_i32_1 = arith.constant 0 : i32
    return %c0_i32, %c0_i32_0 : i32, i32
  }
  func.func @transform_4(%arg0: i32, %arg1: i32) -> (i32, i32, i32) {
    %c0_i32 = arith.constant 0 : i32
    %c0_i32_0 = arith.constant 0 : i32
    return %arg0, %arg1, %c0_i32 : i32, i32, i32
  }
  func.func @transform_5(%arg0: i32, %arg1: i32) -> (i32, i32, i32) {
    %c0_i32 = arith.constant 0 : i32
    %c0_i32_0 = arith.constant 0 : i32
    return %arg0, %arg1, %c0_i32 : i32, i32, i32
  }
  func.func @transform_6(%arg0: i32, %arg1: i32) -> (i32, i32, i32) {
    %c0_i32 = arith.constant 0 : i32
    %c0_i32_0 = arith.constant 0 : i32
    return %arg0, %arg1, %c0_i32 : i32, i32, i32
  }
}

module attributes {stable_mosaic.version = 14 : i64} {
  func.func @_attn_body(%arg0: i32, %arg1: i32, %arg2: memref<2x8xi32, #tpu.memory_space<smem>>, %arg3: memref<2x8xi32, #tpu.memory_space<smem>>, %arg4: memref<1x3x512xf32, #tpu.memory_space<vmem>>, %arg5: memref<1x4096x3xf32, #tpu.memory_space<vmem>>, %arg6: memref<1x4096x256xf32, #tpu.memory_space<vmem>>, %arg7: memref<1x4096x4xf32, #tpu.memory_space<vmem>>, %arg8: memref<1x4x512xf32, #tpu.memory_space<vmem>>, %arg9: memref<1x256xf32, #tpu.memory_space<vmem>>, %arg10: memref<256x256xf32, #tpu.memory_space<vmem>>, %arg11: memref<4x64xf32, #tpu.memory_space<vmem>>, %arg12: memref<4x64xf32, #tpu.memory_space<vmem>>, %arg13: memref<1x512x256xf32, #tpu.memory_space<vmem>>, %arg14: memref<1x512x4xf32, #tpu.memory_space<vmem>>, %arg15: memref<1x512x4xf32, #tpu.memory_space<vmem>>, %arg16: memref<4096x512xf32, #tpu.memory_space<vmem>>) attributes {dimension_semantics = [#tpu.dimension_semantics<parallel>, #tpu.dimension_semantics<arbitrary>], iteration_bounds = array<i64: 2, 8>, scalar_prefetch = 2 : i64, scratch_operands = 1 : i64, tpu.core_type = #tpu.core_type<tc>, window_params = [{transform_indices = @transform_0, window_bounds = array<i64: 1, 3, 512>}, {transform_indices = @transform_1, window_bounds = array<i64: 1, 4096, 3>}, {transform_indices = @transform_2, window_bounds = array<i64: 1, 4096, 256>}, {transform_indices = @transform_3, window_bounds = array<i64: 1, 4096, 4>}, {transform_indices = @transform_4, window_bounds = array<i64: 1, 4, 512>}, {pipeline_mode = #tpu.pipeline_mode<synchronous>, transform_indices = @transform_5, window_bounds = array<i64: 1, 256>}, {pipeline_mode = #tpu.pipeline_mode<synchronous>, transform_indices = @transform_6, window_bounds = array<i64: 256, 256>}, {pipeline_mode = #tpu.pipeline_mode<synchronous>, transform_indices = @transform_7, window_bounds = array<i64: 4, 64>}, {pipeline_mode = #tpu.pipeline_mode<synchronous>, transform_indices = @transform_8, window_bounds = array<i64: 4, 64>}, {transform_indices = @transform_9, window_bounds = array<i64: 1, 512, 256>}, {transform_indices = @transform_10, window_bounds = array<i64: 1, 512, 4>}, {transform_indices = @transform_11, window_bounds = array<i64: 1, 512, 4>}]} {
    %get3A = arith.constant 0 : index
    %get3A_0 = arith.constant 0 : index
    %get3A_1 = arith.constant 0 : index
    %get3A_2 = vector.load %arg4[%get3A, %get3A_0, %get3A_1] : memref<1x3x512xf32, #tpu.memory_space<vmem>>, vector<1x3x512xf32>
    %get3A_3 = vector.shape_cast %get3A_2 : vector<1x3x512xf32> to vector<3x512xf32>
    %mul3A = arith.mulf %get3A_3, %get3A_3 : vector<3x512xf32>
    %reduce_sum3A = arith.constant dense<0.000000e+00> : vector<512xf32>
    %reduce_sum3A_4 = vector.multi_reduction <add>, %mul3A, %reduce_sum3A [0] : vector<3x512xf32> to vector<512xf32>
    %broadcast_in_dim3A = vector.shape_cast %reduce_sum3A_4 : vector<512xf32> to vector<1x512xf32>
    %get3A_5 = arith.constant 0 : index
    %get3A_6 = arith.constant 0 : index
    %get3A_7 = arith.constant 0 : index
    %get3A_8 = vector.load %arg8[%get3A_5, %get3A_6, %get3A_7] : memref<1x4x512xf32, #tpu.memory_space<vmem>>, vector<1x4x512xf32>
    %get3A_9 = vector.shape_cast %get3A_8 : vector<1x4x512xf32> to vector<4x512xf32>
    %get3A_10 = arith.index_cast %arg0 : i32 to index
    %get3A_11 = arith.index_cast %arg1 : i32 to index
    %get3A_12 = memref.load %arg2[%get3A_10, %get3A_11] : memref<2x8xi32, #tpu.memory_space<smem>>
    %get3A_13 = arith.index_cast %arg0 : i32 to index
    %get3A_14 = arith.index_cast %arg1 : i32 to index
    %get3A_15 = memref.load %arg3[%get3A_13, %get3A_14] : memref<2x8xi32, #tpu.memory_space<smem>>
    %add3A = arith.constant 1 : i32
    %add3A_16 = arith.addi %get3A_15, %add3A : i32
    %broadcast_in_dim3A_17 = arith.constant 0.000000e+00 : f32
    %broadcast_in_dim3A_18 = vector.broadcast %broadcast_in_dim3A_17 : f32 to vector<1x512xf32>
    %broadcast_in_dim3A_19 = arith.constant 0.000000e+00 : f32
    %broadcast_in_dim3A_20 = vector.broadcast %broadcast_in_dim3A_19 : f32 to vector<1x512xf32>
    %broadcast_in_dim3A_21 = arith.constant 0.000000e+00 : f32
    %broadcast_in_dim3A_22 = vector.broadcast %broadcast_in_dim3A_21 : f32 to vector<1x512xf32>
    %broadcast_in_dim3A_23 = arith.constant 0.000000e+00 : f32
    %broadcast_in_dim3A_24 = vector.broadcast %broadcast_in_dim3A_23 : f32 to vector<1x512xf32>
    %while3A = arith.constant 16 : i32
    %while3A_25 = arith.constant -1 : i32
    %while3A_26 = arith.subi %add3A_16, %get3A_12 : i32
    %while3A_27 = arith.addi %get3A_12, %while3A_26 : i32
    %while3A_28 = arith.constant 1 : i32
    %while3A_29 = arith.divsi %while3A_26, %while3A_28 : i32
    %while3A_30 = arith.muli %while3A_29, %while3A_28 : i32
    %while3A_31 = arith.addi %get3A_12, %while3A_30 : i32
    %while3A_32 = arith.constant 1 : i32
    %while3A_33:6 = scf.for %while3A_158 = %get3A_12 to %while3A_31 step %while3A_32 iter_args(%while3A_159 = %broadcast_in_dim3A_18, %while3A_160 = %broadcast_in_dim3A_20, %while3A_161 = %broadcast_in_dim3A_22, %while3A_162 = %broadcast_in_dim3A_24, %while3A_163 = %while3A, %while3A_164 = %while3A_25) -> (vector<1x512xf32>, vector<1x512xf32>, vector<1x512xf32>, vector<1x512xf32>, i32, i32)  : i32 {
      %mul3A_165 = arith.constant 256 : i32
      %mul3A_166 = arith.muli %while3A_158, %mul3A_165 : i32
      %get3A_167 = arith.constant 0 : index
      %get3A_168 = arith.index_cast %mul3A_166 : i32 to index
      %get3A_169 = arith.constant 0 : index
      %get3A_170 = vector.load %arg5[%get3A_167, %get3A_168, %get3A_169] : memref<1x4096x3xf32, #tpu.memory_space<vmem>>, vector<1x256x3xf32>
      %get3A_171 = vector.shape_cast %get3A_170 : vector<1x256x3xf32> to vector<256x3xf32>
      %mul3A_172 = arith.mulf %get3A_171, %get3A_171 : vector<256x3xf32>
      %reduce_sum3A_173 = arith.constant dense<0.000000e+00> : vector<256xf32>
      %reduce_sum3A_174 = vector.multi_reduction <add>, %mul3A_172, %reduce_sum3A_173 [1] : vector<256x3xf32> to vector<256xf32>
      %broadcast_in_dim3A_175 = vector.shape_cast %reduce_sum3A_174 : vector<256xf32> to vector<256x1xf32>
      %dot_general3A_176 = arith.constant dense<0.000000e+00> : vector<256x512xf32>
      %dot_general3A_177 = tpu.matmul %get3A_171, %get3A_3, %dot_general3A_176 {dimension_numbers = #tpu.dot_dimension_numbers<[1], [0], [0], [1], [0, 0, 1, 1], [], []>, transpose_lhs_hint = false} : vector<256x3xf32>, vector<3x512xf32>, vector<256x512xf32> -> vector<256x512xf32>
      %add3A_178 = vector.broadcast %broadcast_in_dim3A_175 : vector<256x1xf32> to vector<256x512xf32>
      %add3A_179 = vector.broadcast %broadcast_in_dim3A : vector<1x512xf32> to vector<256x512xf32>
      %add3A_180 = arith.addf %add3A_178, %add3A_179 : vector<256x512xf32>
      %mul3A_181 = arith.constant 2.000000e+00 : f32
      %mul3A_182 = vector.broadcast %mul3A_181 : f32 to vector<256x512xf32>
      %mul3A_183 = arith.mulf %mul3A_182, %dot_general3A_177 : vector<256x512xf32>
      %sub3A = arith.subf %add3A_180, %mul3A_183 : vector<256x512xf32>
      %lt3A = arith.constant 2.500000e-03 : f32
      %lt3A_184 = vector.broadcast %lt3A : f32 to vector<256x512xf32>
      %lt3A_185 = arith.cmpf olt, %sub3A, %lt3A_184 : vector<256x512xf32>
      %convert_element_type3A = arith.extui %lt3A_185 : vector<256x512xi1> to vector<256x512xi32>
      %convert_element_type3A_186 = arith.sitofp %convert_element_type3A : vector<256x512xi32> to vector<256x512xf32>
      %mul3A_187 = arith.constant 256 : i32
      %mul3A_188 = arith.muli %while3A_158, %mul3A_187 : i32
      %swap3A_189 = arith.index_cast %mul3A_188 : i32 to index
      %swap3A_190 = arith.constant 0 : index
      %swap3A_191 = vector.load %arg16[%swap3A_189, %swap3A_190] : memref<4096x512xf32, #tpu.memory_space<vmem>>, vector<256x512xf32>
      tpu.vector_store %arg16[%swap3A_189, %swap3A_190], %convert_element_type3A_186 {strides = array<i32>} : memref<4096x512xf32, #tpu.memory_space<vmem>>, vector<256x512xf32>,
      %reduce_max3A = vector.shape_cast %convert_element_type3A_186 : vector<256x512xf32> to vector<1x256x512xf32>
      %reduce_max3A_192 = arith.constant dense<0xFF800000> : vector<1xf32>
      %reduce_max3A_193 = vector.multi_reduction <maximumf>, %reduce_max3A, %reduce_max3A_192 [1, 2] : vector<1x256x512xf32> to vector<1xf32>
      %reduce_max3A_194 = vector.shape_cast %reduce_max3A_193 : vector<1xf32> to vector<1x1x1xf32>
      %reduce_max3A_195 = vector.extract %reduce_max3A_194[0, 0, 0] : f32 from vector<1x1x1xf32>
      %gt3A = arith.constant 0.000000e+00 : f32
      %gt3A_196 = arith.cmpf ogt, %reduce_max3A_195, %gt3A : f32
      %mul3A_197 = arith.constant 256 : i32
      %mul3A_198 = arith.muli %while3A_158, %mul3A_197 : i32
      %get3A_199 = arith.constant 0 : index
      %get3A_200 = arith.index_cast %mul3A_198 : i32 to index
      %get3A_201 = arith.constant 0 : index
      %get3A_202 = vector.load %arg7[%get3A_199, %get3A_200, %get3A_201] : memref<1x4096x4xf32, #tpu.memory_space<vmem>>, vector<1x256x4xf32>
      %get3A_203 = vector.shape_cast %get3A_202 : vector<1x256x4xf32> to vector<256x4xf32>
      %slice3A_204 = vector.extract_strided_slice %get3A_203 {offsets = [0, 0], sizes = [256, 1], strides = [1, 1]} : vector<256x4xf32> to vector<256x1xf32>
      %slice3A_205 = vector.extract_strided_slice %get3A_9 {offsets = [0, 0], sizes = [1, 512], strides = [1, 1]} : vector<4x512xf32> to vector<1x512xf32>
      %add3A_206 = vector.broadcast %slice3A_204 : vector<256x1xf32> to vector<256x512xf32>
      %add3A_207 = vector.broadcast %slice3A_205 : vector<1x512xf32> to vector<256x512xf32>
      %add3A_208 = arith.addf %add3A_206, %add3A_207 : vector<256x512xf32>
      %ge3A = arith.constant 0.000000e+00 : f32
      %ge3A_209 = vector.broadcast %ge3A : f32 to vector<256x512xf32>
      %ge3A_210 = arith.cmpf oge, %add3A_208, %ge3A_209 : vector<256x512xf32>
      %mul3A_211 = arith.constant 2.000000e-01 : f32
      %mul3A_212 = vector.broadcast %mul3A_211 : f32 to vector<256x512xf32>
      %mul3A_213 = arith.mulf %mul3A_212, %add3A_208 : vector<256x512xf32>
      %select_n3A = arith.select %ge3A_210, %add3A_208, %mul3A_213 : vector<256x512xi1>, vector<256x512xf32>
      %exp3A = math.exp %select_n3A : vector<256x512xf32>
      %jit3A = arith.constant 0.000000e+00 : f32
      %broadcast_in_dim3A_214 = vector.broadcast %jit3A : f32 to vector<256x512xf32>
      %select_n3A_215 = arith.select %lt3A_185, %exp3A, %broadcast_in_dim3A_214 : vector<256x512xi1>, vector<256x512xf32>
      %slice3A_216 = vector.extract_strided_slice %get3A_203 {offsets = [0, 1], sizes = [256, 1], strides = [1, 1]} : vector<256x4xf32> to vector<256x1xf32>
      %slice3A_217 = vector.extract_strided_slice %get3A_9 {offsets = [1, 0], sizes = [1, 512], strides = [1, 1]} : vector<4x512xf32> to vector<1x512xf32>
      %add3A_218 = vector.broadcast %slice3A_216 : vector<256x1xf32> to vector<256x512xf32>
      %add3A_219 = vector.broadcast %slice3A_217 : vector<1x512xf32> to vector<256x512xf32>
      %add3A_220 = arith.addf %add3A_218, %add3A_219 : vector<256x512xf32>
      %ge3A_221 = arith.constant 0.000000e+00 : f32
      %ge3A_222 = vector.broadcast %ge3A_221 : f32 to vector<256x512xf32>
      %ge3A_223 = arith.cmpf oge, %add3A_220, %ge3A_222 : vector<256x512xf32>
      %mul3A_224 = arith.constant 2.000000e-01 : f32
      %mul3A_225 = vector.broadcast %mul3A_224 : f32 to vector<256x512xf32>
      %mul3A_226 = arith.mulf %mul3A_225, %add3A_220 : vector<256x512xf32>
      %select_n3A_227 = arith.select %ge3A_223, %add3A_220, %mul3A_226 : vector<256x512xi1>, vector<256x512xf32>
      %exp3A_228 = math.exp %select_n3A_227 : vector<256x512xf32>
      %jit3A_229 = arith.constant 0.000000e+00 : f32
      %broadcast_in_dim3A_230 = vector.broadcast %jit3A_229 : f32 to vector<256x512xf32>
      %select_n3A_231 = arith.select %lt3A_185, %exp3A_228, %broadcast_in_dim3A_230 : vector<256x512xi1>, vector<256x512xf32>
      %slice3A_232 = vector.extract_strided_slice %get3A_203 {offsets = [0, 2], sizes = [256, 1], strides = [1, 1]} : vector<256x4xf32> to vector<256x1xf32>
      %slice3A_233 = vector.extract_strided_slice %get3A_9 {offsets = [2, 0], sizes = [1, 512], strides = [1, 1]} : vector<4x512xf32> to vector<1x512xf32>
      %add3A_234 = vector.broadcast %slice3A_232 : vector<256x1xf32> to vector<256x512xf32>
      %add3A_235 = vector.broadcast %slice3A_233 : vector<1x512xf32> to vector<256x512xf32>
      %add3A_236 = arith.addf %add3A_234, %add3A_235 : vector<256x512xf32>
      %ge3A_237 = arith.constant 0.000000e+00 : f32
      %ge3A_238 = vector.broadcast %ge3A_237 : f32 to vector<256x512xf32>
      %ge3A_239 = arith.cmpf oge, %add3A_236, %ge3A_238 : vector<256x512xf32>
      %mul3A_240 = arith.constant 2.000000e-01 : f32
      %mul3A_241 = vector.broadcast %mul3A_240 : f32 to vector<256x512xf32>
      %mul3A_242 = arith.mulf %mul3A_241, %add3A_236 : vector<256x512xf32>
      %select_n3A_243 = arith.select %ge3A_239, %add3A_236, %mul3A_242 : vector<256x512xi1>, vector<256x512xf32>
      %exp3A_244 = math.exp %select_n3A_243 : vector<256x512xf32>
      %jit3A_245 = arith.constant 0.000000e+00 : f32
      %broadcast_in_dim3A_246 = vector.broadcast %jit3A_245 : f32 to vector<256x512xf32>
      %select_n3A_247 = arith.select %lt3A_185, %exp3A_244, %broadcast_in_dim3A_246 : vector<256x512xi1>, vector<256x512xf32>
      %slice3A_248 = vector.extract_strided_slice %get3A_203 {offsets = [0, 3], sizes = [256, 1], strides = [1, 1]} : vector<256x4xf32> to vector<256x1xf32>
      %slice3A_249 = vector.extract_strided_slice %get3A_9 {offsets = [3, 0], sizes = [1, 512], strides = [1, 1]} : vector<4x512xf32> to vector<1x512xf32>
      %add3A_250 = vector.broadcast %slice3A_248 : vector<256x1xf32> to vector<256x512xf32>
      %add3A_251 = vector.broadcast %slice3A_249 : vector<1x512xf32> to vector<256x512xf32>
      %add3A_252 = arith.addf %add3A_250, %add3A_251 : vector<256x512xf32>
      %ge3A_253 = arith.constant 0.000000e+00 : f32
      %ge3A_254 = vector.broadcast %ge3A_253 : f32 to vector<256x512xf32>
      %ge3A_255 = arith.cmpf oge, %add3A_252, %ge3A_254 : vector<256x512xf32>
      %mul3A_256 = arith.constant 2.000000e-01 : f32
      %mul3A_257 = vector.broadcast %mul3A_256 : f32 to vector<256x512xf32>
      %mul3A_258 = arith.mulf %mul3A_257, %add3A_252 : vector<256x512xf32>
      %select_n3A_259 = arith.select %ge3A_255, %add3A_252, %mul3A_258 : vector<256x512xi1>, vector<256x512xf32>
      %exp3A_260 = math.exp %select_n3A_259 : vector<256x512xf32>
      %jit3A_261 = arith.constant 0.000000e+00 : f32
      %broadcast_in_dim3A_262 = vector.broadcast %jit3A_261 : f32 to vector<256x512xf32>
      %select_n3A_263 = arith.select %lt3A_185, %exp3A_260, %broadcast_in_dim3A_262 : vector<256x512xi1>, vector<256x512xf32>
      %reduce_sum3A_264 = arith.constant dense<0.000000e+00> : vector<512xf32>
      %reduce_sum3A_265 = vector.multi_reduction <add>, %select_n3A_215, %reduce_sum3A_264 [0] : vector<256x512xf32> to vector<512xf32>
      %broadcast_in_dim3A_266 = vector.shape_cast %reduce_sum3A_265 : vector<512xf32> to vector<1x512xf32>
      %add3A_267 = arith.addf %while3A_159, %broadcast_in_dim3A_266 : vector<1x512xf32>
      %reduce_sum3A_268 = arith.constant dense<0.000000e+00> : vector<512xf32>
      %reduce_sum3A_269 = vector.multi_reduction <add>, %select_n3A_231, %reduce_sum3A_268 [0] : vector<256x512xf32> to vector<512xf32>
      %broadcast_in_dim3A_270 = vector.shape_cast %reduce_sum3A_269 : vector<512xf32> to vector<1x512xf32>
      %add3A_271 = arith.addf %while3A_160, %broadcast_in_dim3A_270 : vector<1x512xf32>
      %reduce_sum3A_272 = arith.constant dense<0.000000e+00> : vector<512xf32>
      %reduce_sum3A_273 = vector.multi_reduction <add>, %select_n3A_247, %reduce_sum3A_272 [0] : vector<256x512xf32> to vector<512xf32>
      %broadcast_in_dim3A_274 = vector.shape_cast %reduce_sum3A_273 : vector<512xf32> to vector<1x512xf32>
      %add3A_275 = arith.addf %while3A_161, %broadcast_in_dim3A_274 : vector<1x512xf32>
      %reduce_sum3A_276 = arith.constant dense<0.000000e+00> : vector<512xf32>
      %reduce_sum3A_277 = vector.multi_reduction <add>, %select_n3A_263, %reduce_sum3A_276 [0] : vector<256x512xf32> to vector<512xf32>
      %broadcast_in_dim3A_278 = vector.shape_cast %reduce_sum3A_277 : vector<512xf32> to vector<1x512xf32>
      %add3A_279 = arith.addf %while3A_162, %broadcast_in_dim3A_278 : vector<1x512xf32>
      %min3A = arith.minsi %while3A_163, %while3A_158 : i32
      %select_n3A_280 = arith.select %gt3A_196, %min3A, %while3A_163 : i32
      %max3A_281 = arith.maxsi %while3A_164, %while3A_158 : i32
      %select_n3A_282 = arith.select %gt3A_196, %max3A_281, %while3A_164 : i32
      scf.yield %add3A_267, %add3A_271, %add3A_275, %add3A_279, %select_n3A_280, %select_n3A_282 : vector<1x512xf32>, vector<1x512xf32>, vector<1x512xf32>, vector<1x512xf32>, i32, i32
    }
    %while3A_34 = arith.constant 1 : i32
    %while3A_35:6 = scf.for %while3A_158 = %while3A_31 to %while3A_27 step %while3A_34 iter_args(%while3A_159 = %while3A_33#0, %while3A_160 = %while3A_33#1, %while3A_161 = %while3A_33#2, %while3A_162 = %while3A_33#3, %while3A_163 = %while3A_33#4, %while3A_164 = %while3A_33#5) -> (vector<1x512xf32>, vector<1x512xf32>, vector<1x512xf32>, vector<1x512xf32>, i32, i32)  : i32 {
      %mul3A_165 = arith.constant 256 : i32
      %mul3A_166 = arith.muli %while3A_158, %mul3A_165 : i32
      %get3A_167 = arith.constant 0 : index
      %get3A_168 = arith.index_cast %mul3A_166 : i32 to index
      %get3A_169 = arith.constant 0 : index
      %get3A_170 = vector.load %arg5[%get3A_167, %get3A_168, %get3A_169] : memref<1x4096x3xf32, #tpu.memory_space<vmem>>, vector<1x256x3xf32>
      %get3A_171 = vector.shape_cast %get3A_170 : vector<1x256x3xf32> to vector<256x3xf32>
      %mul3A_172 = arith.mulf %get3A_171, %get3A_171 : vector<256x3xf32>
      %reduce_sum3A_173 = arith.constant dense<0.000000e+00> : vector<256xf32>
      %reduce_sum3A_174 = vector.multi_reduction <add>, %mul3A_172, %reduce_sum3A_173 [1] : vector<256x3xf32> to vector<256xf32>
      %broadcast_in_dim3A_175 = vector.shape_cast %reduce_sum3A_174 : vector<256xf32> to vector<256x1xf32>
      %dot_general3A_176 = arith.constant dense<0.000000e+00> : vector<256x512xf32>
      %dot_general3A_177 = tpu.matmul %get3A_171, %get3A_3, %dot_general3A_176 {dimension_numbers = #tpu.dot_dimension_numbers<[1], [0], [0], [1], [0, 0, 1, 1], [], []>, transpose_lhs_hint = false} : vector<256x3xf32>, vector<3x512xf32>, vector<256x512xf32> -> vector<256x512xf32>
      %add3A_178 = vector.broadcast %broadcast_in_dim3A_175 : vector<256x1xf32> to vector<256x512xf32>
      %add3A_179 = vector.broadcast %broadcast_in_dim3A : vector<1x512xf32> to vector<256x512xf32>
      %add3A_180 = arith.addf %add3A_178, %add3A_179 : vector<256x512xf32>
      %mul3A_181 = arith.constant 2.000000e+00 : f32
      %mul3A_182 = vector.broadcast %mul3A_181 : f32 to vector<256x512xf32>
      %mul3A_183 = arith.mulf %mul3A_182, %dot_general3A_177 : vector<256x512xf32>
      %sub3A = arith.subf %add3A_180, %mul3A_183 : vector<256x512xf32>
      %lt3A = arith.constant 2.500000e-03 : f32
      %lt3A_184 = vector.broadcast %lt3A : f32 to vector<256x512xf32>
      %lt3A_185 = arith.cmpf olt, %sub3A, %lt3A_184 : vector<256x512xf32>
      %convert_element_type3A = arith.extui %lt3A_185 : vector<256x512xi1> to vector<256x512xi32>
      %convert_element_type3A_186 = arith.sitofp %convert_element_type3A : vector<256x512xi32> to vector<256x512xf32>
      %mul3A_187 = arith.constant 256 : i32
      %mul3A_188 = arith.muli %while3A_158, %mul3A_187 : i32
      %swap3A_189 = arith.index_cast %mul3A_188 : i32 to index
      %swap3A_190 = arith.constant 0 : index
      %swap3A_191 = vector.load %arg16[%swap3A_189, %swap3A_190] : memref<4096x512xf32, #tpu.memory_space<vmem>>, vector<256x512xf32>
      tpu.vector_store %arg16[%swap3A_189, %swap3A_190], %convert_element_type3A_186 {strides = array<i32>} : memref<4096x512xf32, #tpu.memory_space<vmem>>, vector<256x512xf32>,
      %reduce_max3A = vector.shape_cast %convert_element_type3A_186 : vector<256x512xf32> to vector<1x256x512xf32>
      %reduce_max3A_192 = arith.constant dense<0xFF800000> : vector<1xf32>
      %reduce_max3A_193 = vector.multi_reduction <maximumf>, %reduce_max3A, %reduce_max3A_192 [1, 2] : vector<1x256x512xf32> to vector<1xf32>
      %reduce_max3A_194 = vector.shape_cast %reduce_max3A_193 : vector<1xf32> to vector<1x1x1xf32>
      %reduce_max3A_195 = vector.extract %reduce_max3A_194[0, 0, 0] : f32 from vector<1x1x1xf32>
      %gt3A = arith.constant 0.000000e+00 : f32
      %gt3A_196 = arith.cmpf ogt, %reduce_max3A_195, %gt3A : f32
      %mul3A_197 = arith.constant 256 : i32
      %mul3A_198 = arith.muli %while3A_158, %mul3A_197 : i32
      %get3A_199 = arith.constant 0 : index
      %get3A_200 = arith.index_cast %mul3A_198 : i32 to index
      %get3A_201 = arith.constant 0 : index
      %get3A_202 = vector.load %arg7[%get3A_199, %get3A_200, %get3A_201] : memref<1x4096x4xf32, #tpu.memory_space<vmem>>, vector<1x256x4xf32>
      %get3A_203 = vector.shape_cast %get3A_202 : vector<1x256x4xf32> to vector<256x4xf32>
      %slice3A_204 = vector.extract_strided_slice %get3A_203 {offsets = [0, 0], sizes = [256, 1], strides = [1, 1]} : vector<256x4xf32> to vector<256x1xf32>
      %slice3A_205 = vector.extract_strided_slice %get3A_9 {offsets = [0, 0], sizes = [1, 512], strides = [1, 1]} : vector<4x512xf32> to vector<1x512xf32>
      %add3A_206 = vector.broadcast %slice3A_204 : vector<256x1xf32> to vector<256x512xf32>
      %add3A_207 = vector.broadcast %slice3A_205 : vector<1x512xf32> to vector<256x512xf32>
      %add3A_208 = arith.addf %add3A_206, %add3A_207 : vector<256x512xf32>
      %ge3A = arith.constant 0.000000e+00 : f32
      %ge3A_209 = vector.broadcast %ge3A : f32 to vector<256x512xf32>
      %ge3A_210 = arith.cmpf oge, %add3A_208, %ge3A_209 : vector<256x512xf32>
      %mul3A_211 = arith.constant 2.000000e-01 : f32
      %mul3A_212 = vector.broadcast %mul3A_211 : f32 to vector<256x512xf32>
      %mul3A_213 = arith.mulf %mul3A_212, %add3A_208 : vector<256x512xf32>
      %select_n3A = arith.select %ge3A_210, %add3A_208, %mul3A_213 : vector<256x512xi1>, vector<256x512xf32>
      %exp3A = math.exp %select_n3A : vector<256x512xf32>
      %jit3A = arith.constant 0.000000e+00 : f32
      %broadcast_in_dim3A_214 = vector.broadcast %jit3A : f32 to vector<256x512xf32>
      %select_n3A_215 = arith.select %lt3A_185, %exp3A, %broadcast_in_dim3A_214 : vector<256x512xi1>, vector<256x512xf32>
      %slice3A_216 = vector.extract_strided_slice %get3A_203 {offsets = [0, 1], sizes = [256, 1], strides = [1, 1]} : vector<256x4xf32> to vector<256x1xf32>
      %slice3A_217 = vector.extract_strided_slice %get3A_9 {offsets = [1, 0], sizes = [1, 512], strides = [1, 1]} : vector<4x512xf32> to vector<1x512xf32>
      %add3A_218 = vector.broadcast %slice3A_216 : vector<256x1xf32> to vector<256x512xf32>
      %add3A_219 = vector.broadcast %slice3A_217 : vector<1x512xf32> to vector<256x512xf32>
      %add3A_220 = arith.addf %add3A_218, %add3A_219 : vector<256x512xf32>
      %ge3A_221 = arith.constant 0.000000e+00 : f32
      %ge3A_222 = vector.broadcast %ge3A_221 : f32 to vector<256x512xf32>
      %ge3A_223 = arith.cmpf oge, %add3A_220, %ge3A_222 : vector<256x512xf32>
      %mul3A_224 = arith.constant 2.000000e-01 : f32
      %mul3A_225 = vector.broadcast %mul3A_224 : f32 to vector<256x512xf32>
      %mul3A_226 = arith.mulf %mul3A_225, %add3A_220 : vector<256x512xf32>
      %select_n3A_227 = arith.select %ge3A_223, %add3A_220, %mul3A_226 : vector<256x512xi1>, vector<256x512xf32>
      %exp3A_228 = math.exp %select_n3A_227 : vector<256x512xf32>
      %jit3A_229 = arith.constant 0.000000e+00 : f32
      %broadcast_in_dim3A_230 = vector.broadcast %jit3A_229 : f32 to vector<256x512xf32>
      %select_n3A_231 = arith.select %lt3A_185, %exp3A_228, %broadcast_in_dim3A_230 : vector<256x512xi1>, vector<256x512xf32>
      %slice3A_232 = vector.extract_strided_slice %get3A_203 {offsets = [0, 2], sizes = [256, 1], strides = [1, 1]} : vector<256x4xf32> to vector<256x1xf32>
      %slice3A_233 = vector.extract_strided_slice %get3A_9 {offsets = [2, 0], sizes = [1, 512], strides = [1, 1]} : vector<4x512xf32> to vector<1x512xf32>
      %add3A_234 = vector.broadcast %slice3A_232 : vector<256x1xf32> to vector<256x512xf32>
      %add3A_235 = vector.broadcast %slice3A_233 : vector<1x512xf32> to vector<256x512xf32>
      %add3A_236 = arith.addf %add3A_234, %add3A_235 : vector<256x512xf32>
      %ge3A_237 = arith.constant 0.000000e+00 : f32
      %ge3A_238 = vector.broadcast %ge3A_237 : f32 to vector<256x512xf32>
      %ge3A_239 = arith.cmpf oge, %add3A_236, %ge3A_238 : vector<256x512xf32>
      %mul3A_240 = arith.constant 2.000000e-01 : f32
      %mul3A_241 = vector.broadcast %mul3A_240 : f32 to vector<256x512xf32>
      %mul3A_242 = arith.mulf %mul3A_241, %add3A_236 : vector<256x512xf32>
      %select_n3A_243 = arith.select %ge3A_239, %add3A_236, %mul3A_242 : vector<256x512xi1>, vector<256x512xf32>
      %exp3A_244 = math.exp %select_n3A_243 : vector<256x512xf32>
      %jit3A_245 = arith.constant 0.000000e+00 : f32
      %broadcast_in_dim3A_246 = vector.broadcast %jit3A_245 : f32 to vector<256x512xf32>
      %select_n3A_247 = arith.select %lt3A_185, %exp3A_244, %broadcast_in_dim3A_246 : vector<256x512xi1>, vector<256x512xf32>
      %slice3A_248 = vector.extract_strided_slice %get3A_203 {offsets = [0, 3], sizes = [256, 1], strides = [1, 1]} : vector<256x4xf32> to vector<256x1xf32>
      %slice3A_249 = vector.extract_strided_slice %get3A_9 {offsets = [3, 0], sizes = [1, 512], strides = [1, 1]} : vector<4x512xf32> to vector<1x512xf32>
      %add3A_250 = vector.broadcast %slice3A_248 : vector<256x1xf32> to vector<256x512xf32>
      %add3A_251 = vector.broadcast %slice3A_249 : vector<1x512xf32> to vector<256x512xf32>
      %add3A_252 = arith.addf %add3A_250, %add3A_251 : vector<256x512xf32>
      %ge3A_253 = arith.constant 0.000000e+00 : f32
      %ge3A_254 = vector.broadcast %ge3A_253 : f32 to vector<256x512xf32>
      %ge3A_255 = arith.cmpf oge, %add3A_252, %ge3A_254 : vector<256x512xf32>
      %mul3A_256 = arith.constant 2.000000e-01 : f32
      %mul3A_257 = vector.broadcast %mul3A_256 : f32 to vector<256x512xf32>
      %mul3A_258 = arith.mulf %mul3A_257, %add3A_252 : vector<256x512xf32>
      %select_n3A_259 = arith.select %ge3A_255, %add3A_252, %mul3A_258 : vector<256x512xi1>, vector<256x512xf32>
      %exp3A_260 = math.exp %select_n3A_259 : vector<256x512xf32>
      %jit3A_261 = arith.constant 0.000000e+00 : f32
      %broadcast_in_dim3A_262 = vector.broadcast %jit3A_261 : f32 to vector<256x512xf32>
      %select_n3A_263 = arith.select %lt3A_185, %exp3A_260, %broadcast_in_dim3A_262 : vector<256x512xi1>, vector<256x512xf32>
      %reduce_sum3A_264 = arith.constant dense<0.000000e+00> : vector<512xf32>
      %reduce_sum3A_265 = vector.multi_reduction <add>, %select_n3A_215, %reduce_sum3A_264 [0] : vector<256x512xf32> to vector<512xf32>
      %broadcast_in_dim3A_266 = vector.shape_cast %reduce_sum3A_265 : vector<512xf32> to vector<1x512xf32>
      %add3A_267 = arith.addf %while3A_159, %broadcast_in_dim3A_266 : vector<1x512xf32>
      %reduce_sum3A_268 = arith.constant dense<0.000000e+00> : vector<512xf32>
      %reduce_sum3A_269 = vector.multi_reduction <add>, %select_n3A_231, %reduce_sum3A_268 [0] : vector<256x512xf32> to vector<512xf32>
      %broadcast_in_dim3A_270 = vector.shape_cast %reduce_sum3A_269 : vector<512xf32> to vector<1x512xf32>
      %add3A_271 = arith.addf %while3A_160, %broadcast_in_dim3A_270 : vector<1x512xf32>
      %reduce_sum3A_272 = arith.constant dense<0.000000e+00> : vector<512xf32>
      %reduce_sum3A_273 = vector.multi_reduction <add>, %select_n3A_247, %reduce_sum3A_272 [0] : vector<256x512xf32> to vector<512xf32>
      %broadcast_in_dim3A_274 = vector.shape_cast %reduce_sum3A_273 : vector<512xf32> to vector<1x512xf32>
      %add3A_275 = arith.addf %while3A_161, %broadcast_in_dim3A_274 : vector<1x512xf32>
      %reduce_sum3A_276 = arith.constant dense<0.000000e+00> : vector<512xf32>
      %reduce_sum3A_277 = vector.multi_reduction <add>, %select_n3A_263, %reduce_sum3A_276 [0] : vector<256x512xf32> to vector<512xf32>
      %broadcast_in_dim3A_278 = vector.shape_cast %reduce_sum3A_277 : vector<512xf32> to vector<1x512xf32>
      %add3A_279 = arith.addf %while3A_162, %broadcast_in_dim3A_278 : vector<1x512xf32>
      %min3A = arith.minsi %while3A_163, %while3A_158 : i32
      %select_n3A_280 = arith.select %gt3A_196, %min3A, %while3A_163 : i32
      %max3A_281 = arith.maxsi %while3A_164, %while3A_158 : i32
      %select_n3A_282 = arith.select %gt3A_196, %max3A_281, %while3A_164 : i32
      scf.yield %add3A_267, %add3A_271, %add3A_275, %add3A_279, %select_n3A_280, %select_n3A_282 : vector<1x512xf32>, vector<1x512xf32>, vector<1x512xf32>, vector<1x512xf32>, i32, i32
    }
    %add3A_36 = arith.constant 1.000000e-16 : f32
    %add3A_37 = vector.broadcast %add3A_36 : f32 to vector<1x512xf32>
    %add3A_38 = arith.addf %while3A_35#0, %add3A_37 : vector<1x512xf32>
    %add3A_39 = arith.constant 1.000000e-16 : f32
    %add3A_40 = vector.broadcast %add3A_39 : f32 to vector<1x512xf32>
    %add3A_41 = arith.addf %while3A_35#1, %add3A_40 : vector<1x512xf32>
    %add3A_42 = arith.constant 1.000000e-16 : f32
    %add3A_43 = vector.broadcast %add3A_42 : f32 to vector<1x512xf32>
    %add3A_44 = arith.addf %while3A_35#2, %add3A_43 : vector<1x512xf32>
    %add3A_45 = arith.constant 1.000000e-16 : f32
    %add3A_46 = vector.broadcast %add3A_45 : f32 to vector<1x512xf32>
    %add3A_47 = arith.addf %while3A_35#3, %add3A_46 : vector<1x512xf32>
    %add3A_48 = arith.constant 1 : i32
    %add3A_49 = arith.addi %while3A_35#5, %add3A_48 : i32
    %broadcast_in_dim3A_50 = arith.constant 0.000000e+00 : f32
    %broadcast_in_dim3A_51 = vector.broadcast %broadcast_in_dim3A_50 : f32 to vector<64x512xf32>
    %broadcast_in_dim3A_52 = arith.constant 0.000000e+00 : f32
    %broadcast_in_dim3A_53 = vector.broadcast %broadcast_in_dim3A_52 : f32 to vector<64x512xf32>
    %broadcast_in_dim3A_54 = arith.constant 0.000000e+00 : f32
    %broadcast_in_dim3A_55 = vector.broadcast %broadcast_in_dim3A_54 : f32 to vector<64x512xf32>
    %broadcast_in_dim3A_56 = arith.constant 0.000000e+00 : f32
    %broadcast_in_dim3A_57 = vector.broadcast %broadcast_in_dim3A_56 : f32 to vector<64x512xf32>
    %while3A_58 = arith.subi %add3A_49, %while3A_35#4 : i32
    %while3A_59 = arith.addi %while3A_35#4, %while3A_58 : i32
    %while3A_60 = arith.constant 1 : i32
    %while3A_61 = arith.divsi %while3A_58, %while3A_60 : i32
    %while3A_62 = arith.muli %while3A_61, %while3A_60 : i32
    %while3A_63 = arith.addi %while3A_35#4, %while3A_62 : i32
    %while3A_64 = arith.constant 1 : i32
    %while3A_65:4 = scf.for %while3A_158 = %while3A_35#4 to %while3A_63 step %while3A_64 iter_args(%while3A_159 = %broadcast_in_dim3A_51, %while3A_160 = %broadcast_in_dim3A_53, %while3A_161 = %broadcast_in_dim3A_55, %while3A_162 = %broadcast_in_dim3A_57) -> (vector<64x512xf32>, vector<64x512xf32>, vector<64x512xf32>, vector<64x512xf32>)  : i32 {
      %mul3A_163 = arith.constant 256 : i32
      %mul3A_164 = arith.muli %while3A_158, %mul3A_163 : i32
      %get3A_165 = arith.index_cast %mul3A_164 : i32 to index
      %get3A_166 = arith.constant 0 : index
      %get3A_167 = vector.load %arg16[%get3A_165, %get3A_166] : memref<4096x512xf32, #tpu.memory_space<vmem>>, vector<256x512xf32>
      %gt3A = arith.constant 0.000000e+00 : f32
      %gt3A_168 = vector.broadcast %gt3A : f32 to vector<256x512xf32>
      %gt3A_169 = arith.cmpf ogt, %get3A_167, %gt3A_168 : vector<256x512xf32>
      %mul3A_170 = arith.constant 256 : i32
      %mul3A_171 = arith.muli %while3A_158, %mul3A_170 : i32
      %get3A_172 = arith.constant 0 : index
      %get3A_173 = arith.index_cast %mul3A_171 : i32 to index
      %get3A_174 = arith.constant 0 : index
      %get3A_175 = vector.load %arg7[%get3A_172, %get3A_173, %get3A_174] : memref<1x4096x4xf32, #tpu.memory_space<vmem>>, vector<1x256x4xf32>
      %get3A_176 = vector.shape_cast %get3A_175 : vector<1x256x4xf32> to vector<256x4xf32>
      %slice3A_177 = vector.extract_strided_slice %get3A_176 {offsets = [0, 0], sizes = [256, 1], strides = [1, 1]} : vector<256x4xf32> to vector<256x1xf32>
      %slice3A_178 = vector.extract_strided_slice %get3A_9 {offsets = [0, 0], sizes = [1, 512], strides = [1, 1]} : vector<4x512xf32> to vector<1x512xf32>
      %add3A_179 = vector.broadcast %slice3A_177 : vector<256x1xf32> to vector<256x512xf32>
      %add3A_180 = vector.broadcast %slice3A_178 : vector<1x512xf32> to vector<256x512xf32>
      %add3A_181 = arith.addf %add3A_179, %add3A_180 : vector<256x512xf32>
      %ge3A = arith.constant 0.000000e+00 : f32
      %ge3A_182 = vector.broadcast %ge3A : f32 to vector<256x512xf32>
      %ge3A_183 = arith.cmpf oge, %add3A_181, %ge3A_182 : vector<256x512xf32>
      %mul3A_184 = arith.constant 2.000000e-01 : f32
      %mul3A_185 = vector.broadcast %mul3A_184 : f32 to vector<256x512xf32>
      %mul3A_186 = arith.mulf %mul3A_185, %add3A_181 : vector<256x512xf32>
      %select_n3A = arith.select %ge3A_183, %add3A_181, %mul3A_186 : vector<256x512xi1>, vector<256x512xf32>
      %exp3A = math.exp %select_n3A : vector<256x512xf32>
      %jit3A = arith.constant 0.000000e+00 : f32
      %broadcast_in_dim3A_187 = vector.broadcast %jit3A : f32 to vector<256x512xf32>
      %select_n3A_188 = arith.select %gt3A_169, %exp3A, %broadcast_in_dim3A_187 : vector<256x512xi1>, vector<256x512xf32>
      %slice3A_189 = vector.extract_strided_slice %get3A_176 {offsets = [0, 1], sizes = [256, 1], strides = [1, 1]} : vector<256x4xf32> to vector<256x1xf32>
      %slice3A_190 = vector.extract_strided_slice %get3A_9 {offsets = [1, 0], sizes = [1, 512], strides = [1, 1]} : vector<4x512xf32> to vector<1x512xf32>
      %add3A_191 = vector.broadcast %slice3A_189 : vector<256x1xf32> to vector<256x512xf32>
      %add3A_192 = vector.broadcast %slice3A_190 : vector<1x512xf32> to vector<256x512xf32>
      %add3A_193 = arith.addf %add3A_191, %add3A_192 : vector<256x512xf32>
      %ge3A_194 = arith.constant 0.000000e+00 : f32
      %ge3A_195 = vector.broadcast %ge3A_194 : f32 to vector<256x512xf32>
      %ge3A_196 = arith.cmpf oge, %add3A_193, %ge3A_195 : vector<256x512xf32>
      %mul3A_197 = arith.constant 2.000000e-01 : f32
      %mul3A_198 = vector.broadcast %mul3A_197 : f32 to vector<256x512xf32>
      %mul3A_199 = arith.mulf %mul3A_198, %add3A_193 : vector<256x512xf32>
      %select_n3A_200 = arith.select %ge3A_196, %add3A_193, %mul3A_199 : vector<256x512xi1>, vector<256x512xf32>
      %exp3A_201 = math.exp %select_n3A_200 : vector<256x512xf32>
      %jit3A_202 = arith.constant 0.000000e+00 : f32
      %broadcast_in_dim3A_203 = vector.broadcast %jit3A_202 : f32 to vector<256x512xf32>
      %select_n3A_204 = arith.select %gt3A_169, %exp3A_201, %broadcast_in_dim3A_203 : vector<256x512xi1>, vector<256x512xf32>
      %slice3A_205 = vector.extract_strided_slice %get3A_176 {offsets = [0, 2], sizes = [256, 1], strides = [1, 1]} : vector<256x4xf32> to vector<256x1xf32>
      %slice3A_206 = vector.extract_strided_slice %get3A_9 {offsets = [2, 0], sizes = [1, 512], strides = [1, 1]} : vector<4x512xf32> to vector<1x512xf32>
      %add3A_207 = vector.broadcast %slice3A_205 : vector<256x1xf32> to vector<256x512xf32>
      %add3A_208 = vector.broadcast %slice3A_206 : vector<1x512xf32> to vector<256x512xf32>
      %add3A_209 = arith.addf %add3A_207, %add3A_208 : vector<256x512xf32>
      %ge3A_210 = arith.constant 0.000000e+00 : f32
      %ge3A_211 = vector.broadcast %ge3A_210 : f32 to vector<256x512xf32>
      %ge3A_212 = arith.cmpf oge, %add3A_209, %ge3A_211 : vector<256x512xf32>
      %mul3A_213 = arith.constant 2.000000e-01 : f32
      %mul3A_214 = vector.broadcast %mul3A_213 : f32 to vector<256x512xf32>
      %mul3A_215 = arith.mulf %mul3A_214, %add3A_209 : vector<256x512xf32>
      %select_n3A_216 = arith.select %ge3A_212, %add3A_209, %mul3A_215 : vector<256x512xi1>, vector<256x512xf32>
      %exp3A_217 = math.exp %select_n3A_216 : vector<256x512xf32>
      %jit3A_218 = arith.constant 0.000000e+00 : f32
      %broadcast_in_dim3A_219 = vector.broadcast %jit3A_218 : f32 to vector<256x512xf32>
      %select_n3A_220 = arith.select %gt3A_169, %exp3A_217, %broadcast_in_dim3A_219 : vector<256x512xi1>, vector<256x512xf32>
      %slice3A_221 = vector.extract_strided_slice %get3A_176 {offsets = [0, 3], sizes = [256, 1], strides = [1, 1]} : vector<256x4xf32> to vector<256x1xf32>
      %slice3A_222 = vector.extract_strided_slice %get3A_9 {offsets = [3, 0], sizes = [1, 512], strides = [1, 1]} : vector<4x512xf32> to vector<1x512xf32>
      %add3A_223 = vector.broadcast %slice3A_221 : vector<256x1xf32> to vector<256x512xf32>
      %add3A_224 = vector.broadcast %slice3A_222 : vector<1x512xf32> to vector<256x512xf32>
      %add3A_225 = arith.addf %add3A_223, %add3A_224 : vector<256x512xf32>
      %ge3A_226 = arith.constant 0.000000e+00 : f32
      %ge3A_227 = vector.broadcast %ge3A_226 : f32 to vector<256x512xf32>
      %ge3A_228 = arith.cmpf oge, %add3A_225, %ge3A_227 : vector<256x512xf32>
      %mul3A_229 = arith.constant 2.000000e-01 : f32
      %mul3A_230 = vector.broadcast %mul3A_229 : f32 to vector<256x512xf32>
      %mul3A_231 = arith.mulf %mul3A_230, %add3A_225 : vector<256x512xf32>
      %select_n3A_232 = arith.select %ge3A_228, %add3A_225, %mul3A_231 : vector<256x512xi1>, vector<256x512xf32>
      %exp3A_233 = math.exp %select_n3A_232 : vector<256x512xf32>
      %jit3A_234 = arith.constant 0.000000e+00 : f32
      %broadcast_in_dim3A_235 = vector.broadcast %jit3A_234 : f32 to vector<256x512xf32>
      %select_n3A_236 = arith.select %gt3A_169, %exp3A_233, %broadcast_in_dim3A_235 : vector<256x512xi1>, vector<256x512xf32>
      %get3A_237 = arith.constant 0 : index
      %get3A_238 = arith.index_cast %mul3A_164 : i32 to index
      %get3A_239 = arith.constant 0 : index
      %get3A_240 = vector.load %arg6[%get3A_237, %get3A_238, %get3A_239] : memref<1x4096x256xf32, #tpu.memory_space<vmem>>, vector<1x256x256xf32>
      %get3A_241 = vector.shape_cast %get3A_240 : vector<1x256x256xf32> to vector<256x256xf32>
      %div3A = vector.broadcast %add3A_38 : vector<1x512xf32> to vector<256x512xf32>
      %div3A_242 = arith.divf %select_n3A_188, %div3A : vector<256x512xf32>
      %slice3A_243 = vector.extract_strided_slice %get3A_241 {offsets = [0, 0], sizes = [256, 64], strides = [1, 1]} : vector<256x256xf32> to vector<256x64xf32>
      %dot_general3A_244 = arith.constant dense<0.000000e+00> : vector<64x512xf32>
      %dot_general3A_245 = tpu.matmul %slice3A_243, %div3A_242, %dot_general3A_244 {dimension_numbers = #tpu.dot_dimension_numbers<[0], [0], [1], [1], [0, 1, 1, 1], [], []>, transpose_lhs_hint = false} : vector<256x64xf32>, vector<256x512xf32>, vector<64x512xf32> -> vector<64x512xf32>
      %add3A_246 = arith.addf %while3A_159, %dot_general3A_245 : vector<64x512xf32>
      %div3A_247 = vector.broadcast %add3A_41 : vector<1x512xf32> to vector<256x512xf32>
      %div3A_248 = arith.divf %select_n3A_204, %div3A_247 : vector<256x512xf32>
      %slice3A_249 = vector.extract_strided_slice %get3A_241 {offsets = [0, 64], sizes = [256, 64], strides = [1, 1]} : vector<256x256xf32> to vector<256x64xf32>
      %dot_general3A_250 = arith.constant dense<0.000000e+00> : vector<64x512xf32>
      %dot_general3A_251 = tpu.matmul %slice3A_249, %div3A_248, %dot_general3A_250 {dimension_numbers = #tpu.dot_dimension_numbers<[0], [0], [1], [1], [0, 1, 1, 1], [], []>, transpose_lhs_hint = false} : vector<256x64xf32>, vector<256x512xf32>, vector<64x512xf32> -> vector<64x512xf32>
      %add3A_252 = arith.addf %while3A_160, %dot_general3A_251 : vector<64x512xf32>
      %div3A_253 = vector.broadcast %add3A_44 : vector<1x512xf32> to vector<256x512xf32>
      %div3A_254 = arith.divf %select_n3A_220, %div3A_253 : vector<256x512xf32>
      %slice3A_255 = vector.extract_strided_slice %get3A_241 {offsets = [0, 128], sizes = [256, 64], strides = [1, 1]} : vector<256x256xf32> to vector<256x64xf32>
      %dot_general3A_256 = arith.constant dense<0.000000e+00> : vector<64x512xf32>
      %dot_general3A_257 = tpu.matmul %slice3A_255, %div3A_254, %dot_general3A_256 {dimension_numbers = #tpu.dot_dimension_numbers<[0], [0], [1], [1], [0, 1, 1, 1], [], []>, transpose_lhs_hint = false} : vector<256x64xf32>, vector<256x512xf32>, vector<64x512xf32> -> vector<64x512xf32>
      %add3A_258 = arith.addf %while3A_161, %dot_general3A_257 : vector<64x512xf32>
      %div3A_259 = vector.broadcast %add3A_47 : vector<1x512xf32> to vector<256x512xf32>
      %div3A_260 = arith.divf %select_n3A_236, %div3A_259 : vector<256x512xf32>
      %slice3A_261 = vector.extract_strided_slice %get3A_241 {offsets = [0, 192], sizes = [256, 64], strides = [1, 1]} : vector<256x256xf32> to vector<256x64xf32>
      %dot_general3A_262 = arith.constant dense<0.000000e+00> : vector<64x512xf32>
      %dot_general3A_263 = tpu.matmul %slice3A_261, %div3A_260, %dot_general3A_262 {dimension_numbers = #tpu.dot_dimension_numbers<[0], [0], [1], [1], [0, 1, 1, 1], [], []>, transpose_lhs_hint = false} : vector<256x64xf32>, vector<256x512xf32>, vector<64x512xf32> -> vector<64x512xf32>
      %add3A_264 = arith.addf %while3A_162, %dot_general3A_263 : vector<64x512xf32>
      scf.yield %add3A_246, %add3A_252, %add3A_258, %add3A_264 : vector<64x512xf32>, vector<64x512xf32>, vector<64x512xf32>, vector<64x512xf32>
    }
    %while3A_66 = arith.constant 1 : i32
    %while3A_67:4 = scf.for %while3A_158 = %while3A_63 to %while3A_59 step %while3A_66 iter_args(%while3A_159 = %while3A_65#0, %while3A_160 = %while3A_65#1, %while3A_161 = %while3A_65#2, %while3A_162 = %while3A_65#3) -> (vector<64x512xf32>, vector<64x512xf32>, vector<64x512xf32>, vector<64x512xf32>)  : i32 {
      %mul3A_163 = arith.constant 256 : i32
      %mul3A_164 = arith.muli %while3A_158, %mul3A_163 : i32
      %get3A_165 = arith.index_cast %mul3A_164 : i32 to index
      %get3A_166 = arith.constant 0 : index
      %get3A_167 = vector.load %arg16[%get3A_165, %get3A_166] : memref<4096x512xf32, #tpu.memory_space<vmem>>, vector<256x512xf32>
      %gt3A = arith.constant 0.000000e+00 : f32
      %gt3A_168 = vector.broadcast %gt3A : f32 to vector<256x512xf32>
      %gt3A_169 = arith.cmpf ogt, %get3A_167, %gt3A_168 : vector<256x512xf32>
      %mul3A_170 = arith.constant 256 : i32
      %mul3A_171 = arith.muli %while3A_158, %mul3A_170 : i32
      %get3A_172 = arith.constant 0 : index
      %get3A_173 = arith.index_cast %mul3A_171 : i32 to index
      %get3A_174 = arith.constant 0 : index
      %get3A_175 = vector.load %arg7[%get3A_172, %get3A_173, %get3A_174] : memref<1x4096x4xf32, #tpu.memory_space<vmem>>, vector<1x256x4xf32>
      %get3A_176 = vector.shape_cast %get3A_175 : vector<1x256x4xf32> to vector<256x4xf32>
      %slice3A_177 = vector.extract_strided_slice %get3A_176 {offsets = [0, 0], sizes = [256, 1], strides = [1, 1]} : vector<256x4xf32> to vector<256x1xf32>
      %slice3A_178 = vector.extract_strided_slice %get3A_9 {offsets = [0, 0], sizes = [1, 512], strides = [1, 1]} : vector<4x512xf32> to vector<1x512xf32>
      %add3A_179 = vector.broadcast %slice3A_177 : vector<256x1xf32> to vector<256x512xf32>
      %add3A_180 = vector.broadcast %slice3A_178 : vector<1x512xf32> to vector<256x512xf32>
      %add3A_181 = arith.addf %add3A_179, %add3A_180 : vector<256x512xf32>
      %ge3A = arith.constant 0.000000e+00 : f32
      %ge3A_182 = vector.broadcast %ge3A : f32 to vector<256x512xf32>
      %ge3A_183 = arith.cmpf oge, %add3A_181, %ge3A_182 : vector<256x512xf32>
      %mul3A_184 = arith.constant 2.000000e-01 : f32
      %mul3A_185 = vector.broadcast %mul3A_184 : f32 to vector<256x512xf32>
      %mul3A_186 = arith.mulf %mul3A_185, %add3A_181 : vector<256x512xf32>
      %select_n3A = arith.select %ge3A_183, %add3A_181, %mul3A_186 : vector<256x512xi1>, vector<256x512xf32>
      %exp3A = math.exp %select_n3A : vector<256x512xf32>
      %jit3A = arith.constant 0.000000e+00 : f32
      %broadcast_in_dim3A_187 = vector.broadcast %jit3A : f32 to vector<256x512xf32>
      %select_n3A_188 = arith.select %gt3A_169, %exp3A, %broadcast_in_dim3A_187 : vector<256x512xi1>, vector<256x512xf32>
      %slice3A_189 = vector.extract_strided_slice %get3A_176 {offsets = [0, 1], sizes = [256, 1], strides = [1, 1]} : vector<256x4xf32> to vector<256x1xf32>
      %slice3A_190 = vector.extract_strided_slice %get3A_9 {offsets = [1, 0], sizes = [1, 512], strides = [1, 1]} : vector<4x512xf32> to vector<1x512xf32>
      %add3A_191 = vector.broadcast %slice3A_189 : vector<256x1xf32> to vector<256x512xf32>
      %add3A_192 = vector.broadcast %slice3A_190 : vector<1x512xf32> to vector<256x512xf32>
      %add3A_193 = arith.addf %add3A_191, %add3A_192 : vector<256x512xf32>
      %ge3A_194 = arith.constant 0.000000e+00 : f32
      %ge3A_195 = vector.broadcast %ge3A_194 : f32 to vector<256x512xf32>
      %ge3A_196 = arith.cmpf oge, %add3A_193, %ge3A_195 : vector<256x512xf32>
      %mul3A_197 = arith.constant 2.000000e-01 : f32
      %mul3A_198 = vector.broadcast %mul3A_197 : f32 to vector<256x512xf32>
      %mul3A_199 = arith.mulf %mul3A_198, %add3A_193 : vector<256x512xf32>
      %select_n3A_200 = arith.select %ge3A_196, %add3A_193, %mul3A_199 : vector<256x512xi1>, vector<256x512xf32>
      %exp3A_201 = math.exp %select_n3A_200 : vector<256x512xf32>
      %jit3A_202 = arith.constant 0.000000e+00 : f32
      %broadcast_in_dim3A_203 = vector.broadcast %jit3A_202 : f32 to vector<256x512xf32>
      %select_n3A_204 = arith.select %gt3A_169, %exp3A_201, %broadcast_in_dim3A_203 : vector<256x512xi1>, vector<256x512xf32>
      %slice3A_205 = vector.extract_strided_slice %get3A_176 {offsets = [0, 2], sizes = [256, 1], strides = [1, 1]} : vector<256x4xf32> to vector<256x1xf32>
      %slice3A_206 = vector.extract_strided_slice %get3A_9 {offsets = [2, 0], sizes = [1, 512], strides = [1, 1]} : vector<4x512xf32> to vector<1x512xf32>
      %add3A_207 = vector.broadcast %slice3A_205 : vector<256x1xf32> to vector<256x512xf32>
      %add3A_208 = vector.broadcast %slice3A_206 : vector<1x512xf32> to vector<256x512xf32>
      %add3A_209 = arith.addf %add3A_207, %add3A_208 : vector<256x512xf32>
      %ge3A_210 = arith.constant 0.000000e+00 : f32
      %ge3A_211 = vector.broadcast %ge3A_210 : f32 to vector<256x512xf32>
      %ge3A_212 = arith.cmpf oge, %add3A_209, %ge3A_211 : vector<256x512xf32>
      %mul3A_213 = arith.constant 2.000000e-01 : f32
      %mul3A_214 = vector.broadcast %mul3A_213 : f32 to vector<256x512xf32>
      %mul3A_215 = arith.mulf %mul3A_214, %add3A_209 : vector<256x512xf32>
      %select_n3A_216 = arith.select %ge3A_212, %add3A_209, %mul3A_215 : vector<256x512xi1>, vector<256x512xf32>
      %exp3A_217 = math.exp %select_n3A_216 : vector<256x512xf32>
      %jit3A_218 = arith.constant 0.000000e+00 : f32
      %broadcast_in_dim3A_219 = vector.broadcast %jit3A_218 : f32 to vector<256x512xf32>
      %select_n3A_220 = arith.select %gt3A_169, %exp3A_217, %broadcast_in_dim3A_219 : vector<256x512xi1>, vector<256x512xf32>
      %slice3A_221 = vector.extract_strided_slice %get3A_176 {offsets = [0, 3], sizes = [256, 1], strides = [1, 1]} : vector<256x4xf32> to vector<256x1xf32>
      %slice3A_222 = vector.extract_strided_slice %get3A_9 {offsets = [3, 0], sizes = [1, 512], strides = [1, 1]} : vector<4x512xf32> to vector<1x512xf32>
      %add3A_223 = vector.broadcast %slice3A_221 : vector<256x1xf32> to vector<256x512xf32>
      %add3A_224 = vector.broadcast %slice3A_222 : vector<1x512xf32> to vector<256x512xf32>
      %add3A_225 = arith.addf %add3A_223, %add3A_224 : vector<256x512xf32>
      %ge3A_226 = arith.constant 0.000000e+00 : f32
      %ge3A_227 = vector.broadcast %ge3A_226 : f32 to vector<256x512xf32>
      %ge3A_228 = arith.cmpf oge, %add3A_225, %ge3A_227 : vector<256x512xf32>
      %mul3A_229 = arith.constant 2.000000e-01 : f32
      %mul3A_230 = vector.broadcast %mul3A_229 : f32 to vector<256x512xf32>
      %mul3A_231 = arith.mulf %mul3A_230, %add3A_225 : vector<256x512xf32>
      %select_n3A_232 = arith.select %ge3A_228, %add3A_225, %mul3A_231 : vector<256x512xi1>, vector<256x512xf32>
      %exp3A_233 = math.exp %select_n3A_232 : vector<256x512xf32>
      %jit3A_234 = arith.constant 0.000000e+00 : f32
      %broadcast_in_dim3A_235 = vector.broadcast %jit3A_234 : f32 to vector<256x512xf32>
      %select_n3A_236 = arith.select %gt3A_169, %exp3A_233, %broadcast_in_dim3A_235 : vector<256x512xi1>, vector<256x512xf32>
      %get3A_237 = arith.constant 0 : index
      %get3A_238 = arith.index_cast %mul3A_164 : i32 to index
      %get3A_239 = arith.constant 0 : index
      %get3A_240 = vector.load %arg6[%get3A_237, %get3A_238, %get3A_239] : memref<1x4096x256xf32, #tpu.memory_space<vmem>>, vector<1x256x256xf32>
      %get3A_241 = vector.shape_cast %get3A_240 : vector<1x256x256xf32> to vector<256x256xf32>
      %div3A = vector.broadcast %add3A_38 : vector<1x512xf32> to vector<256x512xf32>
      %div3A_242 = arith.divf %select_n3A_188, %div3A : vector<256x512xf32>
      %slice3A_243 = vector.extract_strided_slice %get3A_241 {offsets = [0, 0], sizes = [256, 64], strides = [1, 1]} : vector<256x256xf32> to vector<256x64xf32>
      %dot_general3A_244 = arith.constant dense<0.000000e+00> : vector<64x512xf32>
      %dot_general3A_245 = tpu.matmul %slice3A_243, %div3A_242, %dot_general3A_244 {dimension_numbers = #tpu.dot_dimension_numbers<[0], [0], [1], [1], [0, 1, 1, 1], [], []>, transpose_lhs_hint = false} : vector<256x64xf32>, vector<256x512xf32>, vector<64x512xf32> -> vector<64x512xf32>
      %add3A_246 = arith.addf %while3A_159, %dot_general3A_245 : vector<64x512xf32>
      %div3A_247 = vector.broadcast %add3A_41 : vector<1x512xf32> to vector<256x512xf32>
      %div3A_248 = arith.divf %select_n3A_204, %div3A_247 : vector<256x512xf32>
      %slice3A_249 = vector.extract_strided_slice %get3A_241 {offsets = [0, 64], sizes = [256, 64], strides = [1, 1]} : vector<256x256xf32> to vector<256x64xf32>
      %dot_general3A_250 = arith.constant dense<0.000000e+00> : vector<64x512xf32>
      %dot_general3A_251 = tpu.matmul %slice3A_249, %div3A_248, %dot_general3A_250 {dimension_numbers = #tpu.dot_dimension_numbers<[0], [0], [1], [1], [0, 1, 1, 1], [], []>, transpose_lhs_hint = false} : vector<256x64xf32>, vector<256x512xf32>, vector<64x512xf32> -> vector<64x512xf32>
      %add3A_252 = arith.addf %while3A_160, %dot_general3A_251 : vector<64x512xf32>
      %div3A_253 = vector.broadcast %add3A_44 : vector<1x512xf32> to vector<256x512xf32>
      %div3A_254 = arith.divf %select_n3A_220, %div3A_253 : vector<256x512xf32>
      %slice3A_255 = vector.extract_strided_slice %get3A_241 {offsets = [0, 128], sizes = [256, 64], strides = [1, 1]} : vector<256x256xf32> to vector<256x64xf32>
      %dot_general3A_256 = arith.constant dense<0.000000e+00> : vector<64x512xf32>
      %dot_general3A_257 = tpu.matmul %slice3A_255, %div3A_254, %dot_general3A_256 {dimension_numbers = #tpu.dot_dimension_numbers<[0], [0], [1], [1], [0, 1, 1, 1], [], []>, transpose_lhs_hint = false} : vector<256x64xf32>, vector<256x512xf32>, vector<64x512xf32> -> vector<64x512xf32>
      %add3A_258 = arith.addf %while3A_161, %dot_general3A_257 : vector<64x512xf32>
      %div3A_259 = vector.broadcast %add3A_47 : vector<1x512xf32> to vector<256x512xf32>
      %div3A_260 = arith.divf %select_n3A_236, %div3A_259 : vector<256x512xf32>
      %slice3A_261 = vector.extract_strided_slice %get3A_241 {offsets = [0, 192], sizes = [256, 64], strides = [1, 1]} : vector<256x256xf32> to vector<256x64xf32>
      %dot_general3A_262 = arith.constant dense<0.000000e+00> : vector<64x512xf32>
      %dot_general3A_263 = tpu.matmul %slice3A_261, %div3A_260, %dot_general3A_262 {dimension_numbers = #tpu.dot_dimension_numbers<[0], [0], [1], [1], [0, 1, 1, 1], [], []>, transpose_lhs_hint = false} : vector<256x64xf32>, vector<256x512xf32>, vector<64x512xf32> -> vector<64x512xf32>
      %add3A_264 = arith.addf %while3A_162, %dot_general3A_263 : vector<64x512xf32>
      scf.yield %add3A_246, %add3A_252, %add3A_258, %add3A_264 : vector<64x512xf32>, vector<64x512xf32>, vector<64x512xf32>, vector<64x512xf32>
    }
    %transpose3A = tpu.transpose %while3A_67#0, [1, 0] : vector<64x512xf32> -> vector<512x64xf32>
    %transpose3A_68 = tpu.transpose %while3A_67#1, [1, 0] : vector<64x512xf32> -> vector<512x64xf32>
    %transpose3A_69 = tpu.transpose %while3A_67#2, [1, 0] : vector<64x512xf32> -> vector<512x64xf32>
    %transpose3A_70 = tpu.transpose %while3A_67#3, [1, 0] : vector<64x512xf32> -> vector<512x64xf32>
    %concatenate3A = tpu.concatenate %transpose3A, %transpose3A_68, %transpose3A_69, %transpose3A_70 in 1 : vector<512x64xf32>, vector<512x64xf32>, vector<512x64xf32>, vector<512x64xf32> -> vector<512x256xf32>
    %get3A_71 = arith.constant 0 : index
    %get3A_72 = arith.constant 0 : index
    %get3A_73 = vector.load %arg9[%get3A_71, %get3A_72] : memref<1x256xf32, #tpu.memory_space<vmem>>, vector<1x256xf32>
    %add3A_74 = vector.broadcast %get3A_73 : vector<1x256xf32> to vector<512x256xf32>
    %add3A_75 = arith.addf %concatenate3A, %add3A_74 : vector<512x256xf32>
    %max3A = arith.constant 0.000000e+00 : f32
    %max3A_76 = vector.broadcast %max3A : f32 to vector<512x256xf32>
    %max3A_77 = arith.maximumf %add3A_75, %max3A_76 : vector<512x256xf32>
    %get3A_78 = arith.constant 0 : index
    %get3A_79 = arith.constant 0 : index
    %get3A_80 = vector.load %arg10[%get3A_78, %get3A_79] : memref<256x256xf32, #tpu.memory_space<vmem>>, vector<256x256xf32>
    %dot_general3A = arith.constant dense<0.000000e+00> : vector<512x256xf32>
    %dot_general3A_81 = tpu.matmul %max3A_77, %get3A_80, %dot_general3A {dimension_numbers = #tpu.dot_dimension_numbers<[1], [0], [0], [1], [0, 0, 1, 1], [], []>, transpose_lhs_hint = false} : vector<512x256xf32>, vector<256x256xf32>, vector<512x256xf32> -> vector<512x256xf32>
    %swap3A = arith.constant 0 : index
    %swap3A_82 = arith.constant 0 : index
    %swap3A_83 = arith.constant 0 : index
    %swap3A_84 = vector.load %arg13[%swap3A, %swap3A_82, %swap3A_83] : memref<1x512x256xf32, #tpu.memory_space<vmem>>, vector<1x512x256xf32>
    %swap3A_85 = vector.shape_cast %swap3A_84 : vector<1x512x256xf32> to vector<512x256xf32>
    %swap3A_86 = vector.shape_cast %dot_general3A_81 : vector<512x256xf32> to vector<1x512x256xf32>
    tpu.vector_store %arg13[%swap3A, %swap3A_82, %swap3A_83], %swap3A_86 {strides = array<i32>} : memref<1x512x256xf32, #tpu.memory_space<vmem>>, vector<1x512x256xf32>,
    %get3A_87 = arith.constant 0 : index
    %get3A_88 = arith.constant 0 : index
    %get3A_89 = vector.load %arg11[%get3A_87, %get3A_88] : memref<4x64xf32, #tpu.memory_space<vmem>>, vector<4x64xf32>
    %get3A_90 = arith.constant 0 : index
    %get3A_91 = arith.constant 0 : index
    %get3A_92 = vector.load %arg12[%get3A_90, %get3A_91] : memref<4x64xf32, #tpu.memory_space<vmem>>, vector<4x64xf32>
    %slice3A = vector.extract_strided_slice %dot_general3A_81 {offsets = [0, 0], sizes = [512, 64], strides = [1, 1]} : vector<512x256xf32> to vector<512x64xf32>
    %slice3A_93 = vector.extract_strided_slice %get3A_89 {offsets = [0, 0], sizes = [1, 64], strides = [1, 1]} : vector<4x64xf32> to vector<1x64xf32>
    %mul3A_94 = vector.broadcast %slice3A_93 : vector<1x64xf32> to vector<512x64xf32>
    %mul3A_95 = arith.mulf %slice3A, %mul3A_94 : vector<512x64xf32>
    %reduce_sum3A_96 = arith.constant dense<0.000000e+00> : vector<512xf32>
    %reduce_sum3A_97 = vector.multi_reduction <add>, %mul3A_95, %reduce_sum3A_96 [1] : vector<512x64xf32> to vector<512xf32>
    %broadcast_in_dim3A_98 = vector.shape_cast %reduce_sum3A_97 : vector<512xf32> to vector<512x1xf32>
    %slice3A_99 = vector.extract_strided_slice %get3A_92 {offsets = [0, 0], sizes = [1, 64], strides = [1, 1]} : vector<4x64xf32> to vector<1x64xf32>
    %mul3A_100 = vector.broadcast %slice3A_99 : vector<1x64xf32> to vector<512x64xf32>
    %mul3A_101 = arith.mulf %slice3A, %mul3A_100 : vector<512x64xf32>
    %reduce_sum3A_102 = arith.constant dense<0.000000e+00> : vector<512xf32>
    %reduce_sum3A_103 = vector.multi_reduction <add>, %mul3A_101, %reduce_sum3A_102 [1] : vector<512x64xf32> to vector<512xf32>
    %broadcast_in_dim3A_104 = vector.shape_cast %reduce_sum3A_103 : vector<512xf32> to vector<512x1xf32>
    %slice3A_105 = vector.extract_strided_slice %dot_general3A_81 {offsets = [0, 64], sizes = [512, 64], strides = [1, 1]} : vector<512x256xf32> to vector<512x64xf32>
    %slice3A_106 = vector.extract_strided_slice %get3A_89 {offsets = [1, 0], sizes = [1, 64], strides = [1, 1]} : vector<4x64xf32> to vector<1x64xf32>
    %mul3A_107 = vector.broadcast %slice3A_106 : vector<1x64xf32> to vector<512x64xf32>
    %mul3A_108 = arith.mulf %slice3A_105, %mul3A_107 : vector<512x64xf32>
    %reduce_sum3A_109 = arith.constant dense<0.000000e+00> : vector<512xf32>
    %reduce_sum3A_110 = vector.multi_reduction <add>, %mul3A_108, %reduce_sum3A_109 [1] : vector<512x64xf32> to vector<512xf32>
    %broadcast_in_dim3A_111 = vector.shape_cast %reduce_sum3A_110 : vector<512xf32> to vector<512x1xf32>
    %slice3A_112 = vector.extract_strided_slice %get3A_92 {offsets = [1, 0], sizes = [1, 64], strides = [1, 1]} : vector<4x64xf32> to vector<1x64xf32>
    %mul3A_113 = vector.broadcast %slice3A_112 : vector<1x64xf32> to vector<512x64xf32>
    %mul3A_114 = arith.mulf %slice3A_105, %mul3A_113 : vector<512x64xf32>
    %reduce_sum3A_115 = arith.constant dense<0.000000e+00> : vector<512xf32>
    %reduce_sum3A_116 = vector.multi_reduction <add>, %mul3A_114, %reduce_sum3A_115 [1] : vector<512x64xf32> to vector<512xf32>
    %broadcast_in_dim3A_117 = vector.shape_cast %reduce_sum3A_116 : vector<512xf32> to vector<512x1xf32>
    %slice3A_118 = vector.extract_strided_slice %dot_general3A_81 {offsets = [0, 128], sizes = [512, 64], strides = [1, 1]} : vector<512x256xf32> to vector<512x64xf32>
    %slice3A_119 = vector.extract_strided_slice %get3A_89 {offsets = [2, 0], sizes = [1, 64], strides = [1, 1]} : vector<4x64xf32> to vector<1x64xf32>
    %mul3A_120 = vector.broadcast %slice3A_119 : vector<1x64xf32> to vector<512x64xf32>
    %mul3A_121 = arith.mulf %slice3A_118, %mul3A_120 : vector<512x64xf32>
    %reduce_sum3A_122 = arith.constant dense<0.000000e+00> : vector<512xf32>
    %reduce_sum3A_123 = vector.multi_reduction <add>, %mul3A_121, %reduce_sum3A_122 [1] : vector<512x64xf32> to vector<512xf32>
    %broadcast_in_dim3A_124 = vector.shape_cast %reduce_sum3A_123 : vector<512xf32> to vector<512x1xf32>
    %slice3A_125 = vector.extract_strided_slice %get3A_92 {offsets = [2, 0], sizes = [1, 64], strides = [1, 1]} : vector<4x64xf32> to vector<1x64xf32>
    %mul3A_126 = vector.broadcast %slice3A_125 : vector<1x64xf32> to vector<512x64xf32>
    %mul3A_127 = arith.mulf %slice3A_118, %mul3A_126 : vector<512x64xf32>
    %reduce_sum3A_128 = arith.constant dense<0.000000e+00> : vector<512xf32>
    %reduce_sum3A_129 = vector.multi_reduction <add>, %mul3A_127, %reduce_sum3A_128 [1] : vector<512x64xf32> to vector<512xf32>
    %broadcast_in_dim3A_130 = vector.shape_cast %reduce_sum3A_129 : vector<512xf32> to vector<512x1xf32>
    %slice3A_131 = vector.extract_strided_slice %dot_general3A_81 {offsets = [0, 192], sizes = [512, 64], strides = [1, 1]} : vector<512x256xf32> to vector<512x64xf32>
    %slice3A_132 = vector.extract_strided_slice %get3A_89 {offsets = [3, 0], sizes = [1, 64], strides = [1, 1]} : vector<4x64xf32> to vector<1x64xf32>
    %mul3A_133 = vector.broadcast %slice3A_132 : vector<1x64xf32> to vector<512x64xf32>
    %mul3A_134 = arith.mulf %slice3A_131, %mul3A_133 : vector<512x64xf32>
    %reduce_sum3A_135 = arith.constant dense<0.000000e+00> : vector<512xf32>
    %reduce_sum3A_136 = vector.multi_reduction <add>, %mul3A_134, %reduce_sum3A_135 [1] : vector<512x64xf32> to vector<512xf32>
    %broadcast_in_dim3A_137 = vector.shape_cast %reduce_sum3A_136 : vector<512xf32> to vector<512x1xf32>
    %slice3A_138 = vector.extract_strided_slice %get3A_92 {offsets = [3, 0], sizes = [1, 64], strides = [1, 1]} : vector<4x64xf32> to vector<1x64xf32>
    %mul3A_139 = vector.broadcast %slice3A_138 : vector<1x64xf32> to vector<512x64xf32>
    %mul3A_140 = arith.mulf %slice3A_131, %mul3A_139 : vector<512x64xf32>
    %reduce_sum3A_141 = arith.constant dense<0.000000e+00> : vector<512xf32>
    %reduce_sum3A_142 = vector.multi_reduction <add>, %mul3A_140, %reduce_sum3A_141 [1] : vector<512x64xf32> to vector<512xf32>
    %broadcast_in_dim3A_143 = vector.shape_cast %reduce_sum3A_142 : vector<512xf32> to vector<512x1xf32>
    %concatenate3A_144 = tpu.concatenate %broadcast_in_dim3A_98, %broadcast_in_dim3A_111, %broadcast_in_dim3A_124, %broadcast_in_dim3A_137 in 1 : vector<512x1xf32>, vector<512x1xf32>, vector<512x1xf32>, vector<512x1xf32> -> vector<512x4xf32>
    %concatenate3A_145 = tpu.concatenate %broadcast_in_dim3A_104, %broadcast_in_dim3A_117, %broadcast_in_dim3A_130, %broadcast_in_dim3A_143 in 1 : vector<512x1xf32>, vector<512x1xf32>, vector<512x1xf32>, vector<512x1xf32> -> vector<512x4xf32>
    %swap3A_146 = arith.constant 0 : index
    %swap3A_147 = arith.constant 0 : index
    %swap3A_148 = arith.constant 0 : index
    %swap3A_149 = vector.load %arg14[%swap3A_146, %swap3A_147, %swap3A_148] : memref<1x512x4xf32, #tpu.memory_space<vmem>>, vector<1x512x4xf32>
    %swap3A_150 = vector.shape_cast %swap3A_149 : vector<1x512x4xf32> to vector<512x4xf32>
    %swap3A_151 = vector.shape_cast %concatenate3A_144 : vector<512x4xf32> to vector<1x512x4xf32>
    tpu.vector_store %arg14[%swap3A_146, %swap3A_147, %swap3A_148], %swap3A_151 {strides = array<i32>} : memref<1x512x4xf32, #tpu.memory_space<vmem>>, vector<1x512x4xf32>,
    %swap3A_152 = arith.constant 0 : index
    %swap3A_153 = arith.constant 0 : index
    %swap3A_154 = arith.constant 0 : index
    %swap3A_155 = vector.load %arg15[%swap3A_152, %swap3A_153, %swap3A_154] : memref<1x512x4xf32, #tpu.memory_space<vmem>>, vector<1x512x4xf32>
    %swap3A_156 = vector.shape_cast %swap3A_155 : vector<1x512x4xf32> to vector<512x4xf32>
    %swap3A_157 = vector.shape_cast %concatenate3A_145 : vector<512x4xf32> to vector<1x512x4xf32>
    tpu.vector_store %arg15[%swap3A_152, %swap3A_153, %swap3A_154], %swap3A_157 {strides = array<i32>} : memref<1x512x4xf32, #tpu.memory_space<vmem>>, vector<1x512x4xf32>,
    return
  }
  func.func @transform_0(%arg0: i32, %arg1: i32, %arg2: memref<2x8xi32, #tpu.memory_space<smem>>, %arg3: memref<2x8xi32, #tpu.memory_space<smem>>) -> (i32, i32, i32) {
    %c0_i32 = arith.constant 0 : i32
    %c0_i32_0 = arith.constant 0 : i32
    return %arg0, %c0_i32, %arg1 : i32, i32, i32
  }
  func.func @transform_1(%arg0: i32, %arg1: i32, %arg2: memref<2x8xi32, #tpu.memory_space<smem>>, %arg3: memref<2x8xi32, #tpu.memory_space<smem>>) -> (i32, i32, i32) {
    %c0_i32 = arith.constant 0 : i32
    %c0_i32_0 = arith.constant 0 : i32
    %c0_i32_1 = arith.constant 0 : i32
    return %arg0, %c0_i32, %c0_i32_0 : i32, i32, i32
  }
  func.func @transform_2(%arg0: i32, %arg1: i32, %arg2: memref<2x8xi32, #tpu.memory_space<smem>>, %arg3: memref<2x8xi32, #tpu.memory_space<smem>>) -> (i32, i32, i32) {
    %c0_i32 = arith.constant 0 : i32
    %c0_i32_0 = arith.constant 0 : i32
    %c0_i32_1 = arith.constant 0 : i32
    return %arg0, %c0_i32, %c0_i32_0 : i32, i32, i32
  }
  func.func @transform_3(%arg0: i32, %arg1: i32, %arg2: memref<2x8xi32, #tpu.memory_space<smem>>, %arg3: memref<2x8xi32, #tpu.memory_space<smem>>) -> (i32, i32, i32) {
    %c0_i32 = arith.constant 0 : i32
    %c0_i32_0 = arith.constant 0 : i32
    %c0_i32_1 = arith.constant 0 : i32
    return %arg0, %c0_i32, %c0_i32_0 : i32, i32, i32
  }
  func.func @transform_4(%arg0: i32, %arg1: i32, %arg2: memref<2x8xi32, #tpu.memory_space<smem>>, %arg3: memref<2x8xi32, #tpu.memory_space<smem>>) -> (i32, i32, i32) {
    %c0_i32 = arith.constant 0 : i32
    %c0_i32_0 = arith.constant 0 : i32
    return %arg0, %c0_i32, %arg1 : i32, i32, i32
  }
  func.func @transform_5(%arg0: i32, %arg1: i32, %arg2: memref<2x8xi32, #tpu.memory_space<smem>>, %arg3: memref<2x8xi32, #tpu.memory_space<smem>>) -> (i32, i32) {
    %c0_i32 = arith.constant 0 : i32
    %c0_i32_0 = arith.constant 0 : i32
    %c0_i32_1 = arith.constant 0 : i32
    return %c0_i32, %c0_i32_0 : i32, i32
  }
  func.func @transform_6(%arg0: i32, %arg1: i32, %arg2: memref<2x8xi32, #tpu.memory_space<smem>>, %arg3: memref<2x8xi32, #tpu.memory_space<smem>>) -> (i32, i32) {
    %c0_i32 = arith.constant 0 : i32
    %c0_i32_0 = arith.constant 0 : i32
    %c0_i32_1 = arith.constant 0 : i32
    return %c0_i32, %c0_i32_0 : i32, i32
  }
  func.func @transform_7(%arg0: i32, %arg1: i32, %arg2: memref<2x8xi32, #tpu.memory_space<smem>>, %arg3: memref<2x8xi32, #tpu.memory_space<smem>>) -> (i32, i32) {
    %c0_i32 = arith.constant 0 : i32
    %c0_i32_0 = arith.constant 0 : i32
    %c0_i32_1 = arith.constant 0 : i32
    return %c0_i32, %c0_i32_0 : i32, i32
  }
  func.func @transform_8(%arg0: i32, %arg1: i32, %arg2: memref<2x8xi32, #tpu.memory_space<smem>>, %arg3: memref<2x8xi32, #tpu.memory_space<smem>>) -> (i32, i32) {
    %c0_i32 = arith.constant 0 : i32
    %c0_i32_0 = arith.constant 0 : i32
    %c0_i32_1 = arith.constant 0 : i32
    return %c0_i32, %c0_i32_0 : i32, i32
  }
  func.func @transform_9(%arg0: i32, %arg1: i32, %arg2: memref<2x8xi32, #tpu.memory_space<smem>>, %arg3: memref<2x8xi32, #tpu.memory_space<smem>>) -> (i32, i32, i32) {
    %c0_i32 = arith.constant 0 : i32
    %c0_i32_0 = arith.constant 0 : i32
    return %arg0, %arg1, %c0_i32 : i32, i32, i32
  }
  func.func @transform_10(%arg0: i32, %arg1: i32, %arg2: memref<2x8xi32, #tpu.memory_space<smem>>, %arg3: memref<2x8xi32, #tpu.memory_space<smem>>) -> (i32, i32, i32) {
    %c0_i32 = arith.constant 0 : i32
    %c0_i32_0 = arith.constant 0 : i32
    return %arg0, %arg1, %c0_i32 : i32, i32, i32
  }
  func.func @transform_11(%arg0: i32, %arg1: i32, %arg2: memref<2x8xi32, #tpu.memory_space<smem>>, %arg3: memref<2x8xi32, #tpu.memory_space<smem>>) -> (i32, i32, i32) {
    %c0_i32 = arith.constant 0 : i32
    %c0_i32_0 = arith.constant 0 : i32
    return %arg0, %arg1, %c0_i32 : i32, i32, i32
  }
}

module attributes {stable_mosaic.version = 14 : i64} {
  func.func @_attn_body(%arg0: i32, %arg1: i32, %arg2: memref<2x8xi32, #tpu.memory_space<smem>>, %arg3: memref<2x8xi32, #tpu.memory_space<smem>>, %arg4: memref<1x3x512xf32, #tpu.memory_space<vmem>>, %arg5: memref<1x4096x3xf32, #tpu.memory_space<vmem>>, %arg6: memref<1x4096x256xf32, #tpu.memory_space<vmem>>, %arg7: memref<1x4096x4xf32, #tpu.memory_space<vmem>>, %arg8: memref<1x4x512xf32, #tpu.memory_space<vmem>>, %arg9: memref<1x256xf32, #tpu.memory_space<vmem>>, %arg10: memref<256x2xf32, #tpu.memory_space<vmem>>, %arg11: memref<1x2xf32, #tpu.memory_space<vmem>>, %arg12: memref<1x2xf32, #tpu.memory_space<vmem>>, %arg13: memref<1x512x2xf32, #tpu.memory_space<vmem>>, %arg14: memref<4096x512xf32, #tpu.memory_space<vmem>>) attributes {dimension_semantics = [#tpu.dimension_semantics<parallel>, #tpu.dimension_semantics<arbitrary>], iteration_bounds = array<i64: 2, 8>, scalar_prefetch = 2 : i64, scratch_operands = 1 : i64, tpu.core_type = #tpu.core_type<tc>, window_params = [{transform_indices = @transform_0, window_bounds = array<i64: 1, 3, 512>}, {transform_indices = @transform_1, window_bounds = array<i64: 1, 4096, 3>}, {transform_indices = @transform_2, window_bounds = array<i64: 1, 4096, 256>}, {transform_indices = @transform_3, window_bounds = array<i64: 1, 4096, 4>}, {transform_indices = @transform_4, window_bounds = array<i64: 1, 4, 512>}, {pipeline_mode = #tpu.pipeline_mode<synchronous>, transform_indices = @transform_5, window_bounds = array<i64: 1, 256>}, {pipeline_mode = #tpu.pipeline_mode<synchronous>, transform_indices = @transform_6, window_bounds = array<i64: 256, 2>}, {pipeline_mode = #tpu.pipeline_mode<synchronous>, transform_indices = @transform_7, window_bounds = array<i64: 1, 2>}, {pipeline_mode = #tpu.pipeline_mode<synchronous>, transform_indices = @transform_8, window_bounds = array<i64: 1, 2>}, {transform_indices = @transform_9, window_bounds = array<i64: 1, 512, 2>}]} {
    %get3A = arith.constant 0 : index
    %get3A_0 = arith.constant 0 : index
    %get3A_1 = arith.constant 0 : index
    %get3A_2 = vector.load %arg4[%get3A, %get3A_0, %get3A_1] : memref<1x3x512xf32, #tpu.memory_space<vmem>>, vector<1x3x512xf32>
    %get3A_3 = vector.shape_cast %get3A_2 : vector<1x3x512xf32> to vector<3x512xf32>
    %mul3A = arith.mulf %get3A_3, %get3A_3 : vector<3x512xf32>
    %reduce_sum3A = arith.constant dense<0.000000e+00> : vector<512xf32>
    %reduce_sum3A_4 = vector.multi_reduction <add>, %mul3A, %reduce_sum3A [0] : vector<3x512xf32> to vector<512xf32>
    %broadcast_in_dim3A = vector.shape_cast %reduce_sum3A_4 : vector<512xf32> to vector<1x512xf32>
    %get3A_5 = arith.constant 0 : index
    %get3A_6 = arith.constant 0 : index
    %get3A_7 = arith.constant 0 : index
    %get3A_8 = vector.load %arg8[%get3A_5, %get3A_6, %get3A_7] : memref<1x4x512xf32, #tpu.memory_space<vmem>>, vector<1x4x512xf32>
    %get3A_9 = vector.shape_cast %get3A_8 : vector<1x4x512xf32> to vector<4x512xf32>
    %get3A_10 = arith.index_cast %arg0 : i32 to index
    %get3A_11 = arith.index_cast %arg1 : i32 to index
    %get3A_12 = memref.load %arg2[%get3A_10, %get3A_11] : memref<2x8xi32, #tpu.memory_space<smem>>
    %get3A_13 = arith.index_cast %arg0 : i32 to index
    %get3A_14 = arith.index_cast %arg1 : i32 to index
    %get3A_15 = memref.load %arg3[%get3A_13, %get3A_14] : memref<2x8xi32, #tpu.memory_space<smem>>
    %add3A = arith.constant 1 : i32
    %add3A_16 = arith.addi %get3A_15, %add3A : i32
    %broadcast_in_dim3A_17 = arith.constant 0.000000e+00 : f32
    %broadcast_in_dim3A_18 = vector.broadcast %broadcast_in_dim3A_17 : f32 to vector<1x512xf32>
    %broadcast_in_dim3A_19 = arith.constant 0.000000e+00 : f32
    %broadcast_in_dim3A_20 = vector.broadcast %broadcast_in_dim3A_19 : f32 to vector<1x512xf32>
    %broadcast_in_dim3A_21 = arith.constant 0.000000e+00 : f32
    %broadcast_in_dim3A_22 = vector.broadcast %broadcast_in_dim3A_21 : f32 to vector<1x512xf32>
    %broadcast_in_dim3A_23 = arith.constant 0.000000e+00 : f32
    %broadcast_in_dim3A_24 = vector.broadcast %broadcast_in_dim3A_23 : f32 to vector<1x512xf32>
    %while3A = arith.constant 16 : i32
    %while3A_25 = arith.constant -1 : i32
    %while3A_26 = arith.subi %add3A_16, %get3A_12 : i32
    %while3A_27 = arith.addi %get3A_12, %while3A_26 : i32
    %while3A_28 = arith.constant 1 : i32
    %while3A_29 = arith.divsi %while3A_26, %while3A_28 : i32
    %while3A_30 = arith.muli %while3A_29, %while3A_28 : i32
    %while3A_31 = arith.addi %get3A_12, %while3A_30 : i32
    %while3A_32 = arith.constant 1 : i32
    %while3A_33:6 = scf.for %while3A_92 = %get3A_12 to %while3A_31 step %while3A_32 iter_args(%while3A_93 = %broadcast_in_dim3A_18, %while3A_94 = %broadcast_in_dim3A_20, %while3A_95 = %broadcast_in_dim3A_22, %while3A_96 = %broadcast_in_dim3A_24, %while3A_97 = %while3A, %while3A_98 = %while3A_25) -> (vector<1x512xf32>, vector<1x512xf32>, vector<1x512xf32>, vector<1x512xf32>, i32, i32)  : i32 {
      %mul3A_99 = arith.constant 256 : i32
      %mul3A_100 = arith.muli %while3A_92, %mul3A_99 : i32
      %get3A_101 = arith.constant 0 : index
      %get3A_102 = arith.index_cast %mul3A_100 : i32 to index
      %get3A_103 = arith.constant 0 : index
      %get3A_104 = vector.load %arg5[%get3A_101, %get3A_102, %get3A_103] : memref<1x4096x3xf32, #tpu.memory_space<vmem>>, vector<1x256x3xf32>
      %get3A_105 = vector.shape_cast %get3A_104 : vector<1x256x3xf32> to vector<256x3xf32>
      %mul3A_106 = arith.mulf %get3A_105, %get3A_105 : vector<256x3xf32>
      %reduce_sum3A_107 = arith.constant dense<0.000000e+00> : vector<256xf32>
      %reduce_sum3A_108 = vector.multi_reduction <add>, %mul3A_106, %reduce_sum3A_107 [1] : vector<256x3xf32> to vector<256xf32>
      %broadcast_in_dim3A_109 = vector.shape_cast %reduce_sum3A_108 : vector<256xf32> to vector<256x1xf32>
      %dot_general3A_110 = arith.constant dense<0.000000e+00> : vector<256x512xf32>
      %dot_general3A_111 = tpu.matmul %get3A_105, %get3A_3, %dot_general3A_110 {dimension_numbers = #tpu.dot_dimension_numbers<[1], [0], [0], [1], [0, 0, 1, 1], [], []>, transpose_lhs_hint = false} : vector<256x3xf32>, vector<3x512xf32>, vector<256x512xf32> -> vector<256x512xf32>
      %add3A_112 = vector.broadcast %broadcast_in_dim3A_109 : vector<256x1xf32> to vector<256x512xf32>
      %add3A_113 = vector.broadcast %broadcast_in_dim3A : vector<1x512xf32> to vector<256x512xf32>
      %add3A_114 = arith.addf %add3A_112, %add3A_113 : vector<256x512xf32>
      %mul3A_115 = arith.constant 2.000000e+00 : f32
      %mul3A_116 = vector.broadcast %mul3A_115 : f32 to vector<256x512xf32>
      %mul3A_117 = arith.mulf %mul3A_116, %dot_general3A_111 : vector<256x512xf32>
      %sub3A = arith.subf %add3A_114, %mul3A_117 : vector<256x512xf32>
      %lt3A = arith.constant 2.500000e-03 : f32
      %lt3A_118 = vector.broadcast %lt3A : f32 to vector<256x512xf32>
      %lt3A_119 = arith.cmpf olt, %sub3A, %lt3A_118 : vector<256x512xf32>
      %convert_element_type3A = arith.extui %lt3A_119 : vector<256x512xi1> to vector<256x512xi32>
      %convert_element_type3A_120 = arith.sitofp %convert_element_type3A : vector<256x512xi32> to vector<256x512xf32>
      %mul3A_121 = arith.constant 256 : i32
      %mul3A_122 = arith.muli %while3A_92, %mul3A_121 : i32
      %swap3A_123 = arith.index_cast %mul3A_122 : i32 to index
      %swap3A_124 = arith.constant 0 : index
      %swap3A_125 = vector.load %arg14[%swap3A_123, %swap3A_124] : memref<4096x512xf32, #tpu.memory_space<vmem>>, vector<256x512xf32>
      tpu.vector_store %arg14[%swap3A_123, %swap3A_124], %convert_element_type3A_120 {strides = array<i32>} : memref<4096x512xf32, #tpu.memory_space<vmem>>, vector<256x512xf32>,
      %reduce_max3A = vector.shape_cast %convert_element_type3A_120 : vector<256x512xf32> to vector<1x256x512xf32>
      %reduce_max3A_126 = arith.constant dense<0xFF800000> : vector<1xf32>
      %reduce_max3A_127 = vector.multi_reduction <maximumf>, %reduce_max3A, %reduce_max3A_126 [1, 2] : vector<1x256x512xf32> to vector<1xf32>
      %reduce_max3A_128 = vector.shape_cast %reduce_max3A_127 : vector<1xf32> to vector<1x1x1xf32>
      %reduce_max3A_129 = vector.extract %reduce_max3A_128[0, 0, 0] : f32 from vector<1x1x1xf32>
      %gt3A = arith.constant 0.000000e+00 : f32
      %gt3A_130 = arith.cmpf ogt, %reduce_max3A_129, %gt3A : f32
      %mul3A_131 = arith.constant 256 : i32
      %mul3A_132 = arith.muli %while3A_92, %mul3A_131 : i32
      %get3A_133 = arith.constant 0 : index
      %get3A_134 = arith.index_cast %mul3A_132 : i32 to index
      %get3A_135 = arith.constant 0 : index
      %get3A_136 = vector.load %arg7[%get3A_133, %get3A_134, %get3A_135] : memref<1x4096x4xf32, #tpu.memory_space<vmem>>, vector<1x256x4xf32>
      %get3A_137 = vector.shape_cast %get3A_136 : vector<1x256x4xf32> to vector<256x4xf32>
      %slice3A = vector.extract_strided_slice %get3A_137 {offsets = [0, 0], sizes = [256, 1], strides = [1, 1]} : vector<256x4xf32> to vector<256x1xf32>
      %slice3A_138 = vector.extract_strided_slice %get3A_9 {offsets = [0, 0], sizes = [1, 512], strides = [1, 1]} : vector<4x512xf32> to vector<1x512xf32>
      %add3A_139 = vector.broadcast %slice3A : vector<256x1xf32> to vector<256x512xf32>
      %add3A_140 = vector.broadcast %slice3A_138 : vector<1x512xf32> to vector<256x512xf32>
      %add3A_141 = arith.addf %add3A_139, %add3A_140 : vector<256x512xf32>
      %ge3A = arith.constant 0.000000e+00 : f32
      %ge3A_142 = vector.broadcast %ge3A : f32 to vector<256x512xf32>
      %ge3A_143 = arith.cmpf oge, %add3A_141, %ge3A_142 : vector<256x512xf32>
      %mul3A_144 = arith.constant 2.000000e-01 : f32
      %mul3A_145 = vector.broadcast %mul3A_144 : f32 to vector<256x512xf32>
      %mul3A_146 = arith.mulf %mul3A_145, %add3A_141 : vector<256x512xf32>
      %select_n3A = arith.select %ge3A_143, %add3A_141, %mul3A_146 : vector<256x512xi1>, vector<256x512xf32>
      %exp3A = math.exp %select_n3A : vector<256x512xf32>
      %jit3A = arith.constant 0.000000e+00 : f32
      %broadcast_in_dim3A_147 = vector.broadcast %jit3A : f32 to vector<256x512xf32>
      %select_n3A_148 = arith.select %lt3A_119, %exp3A, %broadcast_in_dim3A_147 : vector<256x512xi1>, vector<256x512xf32>
      %slice3A_149 = vector.extract_strided_slice %get3A_137 {offsets = [0, 1], sizes = [256, 1], strides = [1, 1]} : vector<256x4xf32> to vector<256x1xf32>
      %slice3A_150 = vector.extract_strided_slice %get3A_9 {offsets = [1, 0], sizes = [1, 512], strides = [1, 1]} : vector<4x512xf32> to vector<1x512xf32>
      %add3A_151 = vector.broadcast %slice3A_149 : vector<256x1xf32> to vector<256x512xf32>
      %add3A_152 = vector.broadcast %slice3A_150 : vector<1x512xf32> to vector<256x512xf32>
      %add3A_153 = arith.addf %add3A_151, %add3A_152 : vector<256x512xf32>
      %ge3A_154 = arith.constant 0.000000e+00 : f32
      %ge3A_155 = vector.broadcast %ge3A_154 : f32 to vector<256x512xf32>
      %ge3A_156 = arith.cmpf oge, %add3A_153, %ge3A_155 : vector<256x512xf32>
      %mul3A_157 = arith.constant 2.000000e-01 : f32
      %mul3A_158 = vector.broadcast %mul3A_157 : f32 to vector<256x512xf32>
      %mul3A_159 = arith.mulf %mul3A_158, %add3A_153 : vector<256x512xf32>
      %select_n3A_160 = arith.select %ge3A_156, %add3A_153, %mul3A_159 : vector<256x512xi1>, vector<256x512xf32>
      %exp3A_161 = math.exp %select_n3A_160 : vector<256x512xf32>
      %jit3A_162 = arith.constant 0.000000e+00 : f32
      %broadcast_in_dim3A_163 = vector.broadcast %jit3A_162 : f32 to vector<256x512xf32>
      %select_n3A_164 = arith.select %lt3A_119, %exp3A_161, %broadcast_in_dim3A_163 : vector<256x512xi1>, vector<256x512xf32>
      %slice3A_165 = vector.extract_strided_slice %get3A_137 {offsets = [0, 2], sizes = [256, 1], strides = [1, 1]} : vector<256x4xf32> to vector<256x1xf32>
      %slice3A_166 = vector.extract_strided_slice %get3A_9 {offsets = [2, 0], sizes = [1, 512], strides = [1, 1]} : vector<4x512xf32> to vector<1x512xf32>
      %add3A_167 = vector.broadcast %slice3A_165 : vector<256x1xf32> to vector<256x512xf32>
      %add3A_168 = vector.broadcast %slice3A_166 : vector<1x512xf32> to vector<256x512xf32>
      %add3A_169 = arith.addf %add3A_167, %add3A_168 : vector<256x512xf32>
      %ge3A_170 = arith.constant 0.000000e+00 : f32
      %ge3A_171 = vector.broadcast %ge3A_170 : f32 to vector<256x512xf32>
      %ge3A_172 = arith.cmpf oge, %add3A_169, %ge3A_171 : vector<256x512xf32>
      %mul3A_173 = arith.constant 2.000000e-01 : f32
      %mul3A_174 = vector.broadcast %mul3A_173 : f32 to vector<256x512xf32>
      %mul3A_175 = arith.mulf %mul3A_174, %add3A_169 : vector<256x512xf32>
      %select_n3A_176 = arith.select %ge3A_172, %add3A_169, %mul3A_175 : vector<256x512xi1>, vector<256x512xf32>
      %exp3A_177 = math.exp %select_n3A_176 : vector<256x512xf32>
      %jit3A_178 = arith.constant 0.000000e+00 : f32
      %broadcast_in_dim3A_179 = vector.broadcast %jit3A_178 : f32 to vector<256x512xf32>
      %select_n3A_180 = arith.select %lt3A_119, %exp3A_177, %broadcast_in_dim3A_179 : vector<256x512xi1>, vector<256x512xf32>
      %slice3A_181 = vector.extract_strided_slice %get3A_137 {offsets = [0, 3], sizes = [256, 1], strides = [1, 1]} : vector<256x4xf32> to vector<256x1xf32>
      %slice3A_182 = vector.extract_strided_slice %get3A_9 {offsets = [3, 0], sizes = [1, 512], strides = [1, 1]} : vector<4x512xf32> to vector<1x512xf32>
      %add3A_183 = vector.broadcast %slice3A_181 : vector<256x1xf32> to vector<256x512xf32>
      %add3A_184 = vector.broadcast %slice3A_182 : vector<1x512xf32> to vector<256x512xf32>
      %add3A_185 = arith.addf %add3A_183, %add3A_184 : vector<256x512xf32>
      %ge3A_186 = arith.constant 0.000000e+00 : f32
      %ge3A_187 = vector.broadcast %ge3A_186 : f32 to vector<256x512xf32>
      %ge3A_188 = arith.cmpf oge, %add3A_185, %ge3A_187 : vector<256x512xf32>
      %mul3A_189 = arith.constant 2.000000e-01 : f32
      %mul3A_190 = vector.broadcast %mul3A_189 : f32 to vector<256x512xf32>
      %mul3A_191 = arith.mulf %mul3A_190, %add3A_185 : vector<256x512xf32>
      %select_n3A_192 = arith.select %ge3A_188, %add3A_185, %mul3A_191 : vector<256x512xi1>, vector<256x512xf32>
      %exp3A_193 = math.exp %select_n3A_192 : vector<256x512xf32>
      %jit3A_194 = arith.constant 0.000000e+00 : f32
      %broadcast_in_dim3A_195 = vector.broadcast %jit3A_194 : f32 to vector<256x512xf32>
      %select_n3A_196 = arith.select %lt3A_119, %exp3A_193, %broadcast_in_dim3A_195 : vector<256x512xi1>, vector<256x512xf32>
      %reduce_sum3A_197 = arith.constant dense<0.000000e+00> : vector<512xf32>
      %reduce_sum3A_198 = vector.multi_reduction <add>, %select_n3A_148, %reduce_sum3A_197 [0] : vector<256x512xf32> to vector<512xf32>
      %broadcast_in_dim3A_199 = vector.shape_cast %reduce_sum3A_198 : vector<512xf32> to vector<1x512xf32>
      %add3A_200 = arith.addf %while3A_93, %broadcast_in_dim3A_199 : vector<1x512xf32>
      %reduce_sum3A_201 = arith.constant dense<0.000000e+00> : vector<512xf32>
      %reduce_sum3A_202 = vector.multi_reduction <add>, %select_n3A_164, %reduce_sum3A_201 [0] : vector<256x512xf32> to vector<512xf32>
      %broadcast_in_dim3A_203 = vector.shape_cast %reduce_sum3A_202 : vector<512xf32> to vector<1x512xf32>
      %add3A_204 = arith.addf %while3A_94, %broadcast_in_dim3A_203 : vector<1x512xf32>
      %reduce_sum3A_205 = arith.constant dense<0.000000e+00> : vector<512xf32>
      %reduce_sum3A_206 = vector.multi_reduction <add>, %select_n3A_180, %reduce_sum3A_205 [0] : vector<256x512xf32> to vector<512xf32>
      %broadcast_in_dim3A_207 = vector.shape_cast %reduce_sum3A_206 : vector<512xf32> to vector<1x512xf32>
      %add3A_208 = arith.addf %while3A_95, %broadcast_in_dim3A_207 : vector<1x512xf32>
      %reduce_sum3A_209 = arith.constant dense<0.000000e+00> : vector<512xf32>
      %reduce_sum3A_210 = vector.multi_reduction <add>, %select_n3A_196, %reduce_sum3A_209 [0] : vector<256x512xf32> to vector<512xf32>
      %broadcast_in_dim3A_211 = vector.shape_cast %reduce_sum3A_210 : vector<512xf32> to vector<1x512xf32>
      %add3A_212 = arith.addf %while3A_96, %broadcast_in_dim3A_211 : vector<1x512xf32>
      %min3A = arith.minsi %while3A_97, %while3A_92 : i32
      %select_n3A_213 = arith.select %gt3A_130, %min3A, %while3A_97 : i32
      %max3A_214 = arith.maxsi %while3A_98, %while3A_92 : i32
      %select_n3A_215 = arith.select %gt3A_130, %max3A_214, %while3A_98 : i32
      scf.yield %add3A_200, %add3A_204, %add3A_208, %add3A_212, %select_n3A_213, %select_n3A_215 : vector<1x512xf32>, vector<1x512xf32>, vector<1x512xf32>, vector<1x512xf32>, i32, i32
    }
    %while3A_34 = arith.constant 1 : i32
    %while3A_35:6 = scf.for %while3A_92 = %while3A_31 to %while3A_27 step %while3A_34 iter_args(%while3A_93 = %while3A_33#0, %while3A_94 = %while3A_33#1, %while3A_95 = %while3A_33#2, %while3A_96 = %while3A_33#3, %while3A_97 = %while3A_33#4, %while3A_98 = %while3A_33#5) -> (vector<1x512xf32>, vector<1x512xf32>, vector<1x512xf32>, vector<1x512xf32>, i32, i32)  : i32 {
      %mul3A_99 = arith.constant 256 : i32
      %mul3A_100 = arith.muli %while3A_92, %mul3A_99 : i32
      %get3A_101 = arith.constant 0 : index
      %get3A_102 = arith.index_cast %mul3A_100 : i32 to index
      %get3A_103 = arith.constant 0 : index
      %get3A_104 = vector.load %arg5[%get3A_101, %get3A_102, %get3A_103] : memref<1x4096x3xf32, #tpu.memory_space<vmem>>, vector<1x256x3xf32>
      %get3A_105 = vector.shape_cast %get3A_104 : vector<1x256x3xf32> to vector<256x3xf32>
      %mul3A_106 = arith.mulf %get3A_105, %get3A_105 : vector<256x3xf32>
      %reduce_sum3A_107 = arith.constant dense<0.000000e+00> : vector<256xf32>
      %reduce_sum3A_108 = vector.multi_reduction <add>, %mul3A_106, %reduce_sum3A_107 [1] : vector<256x3xf32> to vector<256xf32>
      %broadcast_in_dim3A_109 = vector.shape_cast %reduce_sum3A_108 : vector<256xf32> to vector<256x1xf32>
      %dot_general3A_110 = arith.constant dense<0.000000e+00> : vector<256x512xf32>
      %dot_general3A_111 = tpu.matmul %get3A_105, %get3A_3, %dot_general3A_110 {dimension_numbers = #tpu.dot_dimension_numbers<[1], [0], [0], [1], [0, 0, 1, 1], [], []>, transpose_lhs_hint = false} : vector<256x3xf32>, vector<3x512xf32>, vector<256x512xf32> -> vector<256x512xf32>
      %add3A_112 = vector.broadcast %broadcast_in_dim3A_109 : vector<256x1xf32> to vector<256x512xf32>
      %add3A_113 = vector.broadcast %broadcast_in_dim3A : vector<1x512xf32> to vector<256x512xf32>
      %add3A_114 = arith.addf %add3A_112, %add3A_113 : vector<256x512xf32>
      %mul3A_115 = arith.constant 2.000000e+00 : f32
      %mul3A_116 = vector.broadcast %mul3A_115 : f32 to vector<256x512xf32>
      %mul3A_117 = arith.mulf %mul3A_116, %dot_general3A_111 : vector<256x512xf32>
      %sub3A = arith.subf %add3A_114, %mul3A_117 : vector<256x512xf32>
      %lt3A = arith.constant 2.500000e-03 : f32
      %lt3A_118 = vector.broadcast %lt3A : f32 to vector<256x512xf32>
      %lt3A_119 = arith.cmpf olt, %sub3A, %lt3A_118 : vector<256x512xf32>
      %convert_element_type3A = arith.extui %lt3A_119 : vector<256x512xi1> to vector<256x512xi32>
      %convert_element_type3A_120 = arith.sitofp %convert_element_type3A : vector<256x512xi32> to vector<256x512xf32>
      %mul3A_121 = arith.constant 256 : i32
      %mul3A_122 = arith.muli %while3A_92, %mul3A_121 : i32
      %swap3A_123 = arith.index_cast %mul3A_122 : i32 to index
      %swap3A_124 = arith.constant 0 : index
      %swap3A_125 = vector.load %arg14[%swap3A_123, %swap3A_124] : memref<4096x512xf32, #tpu.memory_space<vmem>>, vector<256x512xf32>
      tpu.vector_store %arg14[%swap3A_123, %swap3A_124], %convert_element_type3A_120 {strides = array<i32>} : memref<4096x512xf32, #tpu.memory_space<vmem>>, vector<256x512xf32>,
      %reduce_max3A = vector.shape_cast %convert_element_type3A_120 : vector<256x512xf32> to vector<1x256x512xf32>
      %reduce_max3A_126 = arith.constant dense<0xFF800000> : vector<1xf32>
      %reduce_max3A_127 = vector.multi_reduction <maximumf>, %reduce_max3A, %reduce_max3A_126 [1, 2] : vector<1x256x512xf32> to vector<1xf32>
      %reduce_max3A_128 = vector.shape_cast %reduce_max3A_127 : vector<1xf32> to vector<1x1x1xf32>
      %reduce_max3A_129 = vector.extract %reduce_max3A_128[0, 0, 0] : f32 from vector<1x1x1xf32>
      %gt3A = arith.constant 0.000000e+00 : f32
      %gt3A_130 = arith.cmpf ogt, %reduce_max3A_129, %gt3A : f32
      %mul3A_131 = arith.constant 256 : i32
      %mul3A_132 = arith.muli %while3A_92, %mul3A_131 : i32
      %get3A_133 = arith.constant 0 : index
      %get3A_134 = arith.index_cast %mul3A_132 : i32 to index
      %get3A_135 = arith.constant 0 : index
      %get3A_136 = vector.load %arg7[%get3A_133, %get3A_134, %get3A_135] : memref<1x4096x4xf32, #tpu.memory_space<vmem>>, vector<1x256x4xf32>
      %get3A_137 = vector.shape_cast %get3A_136 : vector<1x256x4xf32> to vector<256x4xf32>
      %slice3A = vector.extract_strided_slice %get3A_137 {offsets = [0, 0], sizes = [256, 1], strides = [1, 1]} : vector<256x4xf32> to vector<256x1xf32>
      %slice3A_138 = vector.extract_strided_slice %get3A_9 {offsets = [0, 0], sizes = [1, 512], strides = [1, 1]} : vector<4x512xf32> to vector<1x512xf32>
      %add3A_139 = vector.broadcast %slice3A : vector<256x1xf32> to vector<256x512xf32>
      %add3A_140 = vector.broadcast %slice3A_138 : vector<1x512xf32> to vector<256x512xf32>
      %add3A_141 = arith.addf %add3A_139, %add3A_140 : vector<256x512xf32>
      %ge3A = arith.constant 0.000000e+00 : f32
      %ge3A_142 = vector.broadcast %ge3A : f32 to vector<256x512xf32>
      %ge3A_143 = arith.cmpf oge, %add3A_141, %ge3A_142 : vector<256x512xf32>
      %mul3A_144 = arith.constant 2.000000e-01 : f32
      %mul3A_145 = vector.broadcast %mul3A_144 : f32 to vector<256x512xf32>
      %mul3A_146 = arith.mulf %mul3A_145, %add3A_141 : vector<256x512xf32>
      %select_n3A = arith.select %ge3A_143, %add3A_141, %mul3A_146 : vector<256x512xi1>, vector<256x512xf32>
      %exp3A = math.exp %select_n3A : vector<256x512xf32>
      %jit3A = arith.constant 0.000000e+00 : f32
      %broadcast_in_dim3A_147 = vector.broadcast %jit3A : f32 to vector<256x512xf32>
      %select_n3A_148 = arith.select %lt3A_119, %exp3A, %broadcast_in_dim3A_147 : vector<256x512xi1>, vector<256x512xf32>
      %slice3A_149 = vector.extract_strided_slice %get3A_137 {offsets = [0, 1], sizes = [256, 1], strides = [1, 1]} : vector<256x4xf32> to vector<256x1xf32>
      %slice3A_150 = vector.extract_strided_slice %get3A_9 {offsets = [1, 0], sizes = [1, 512], strides = [1, 1]} : vector<4x512xf32> to vector<1x512xf32>
      %add3A_151 = vector.broadcast %slice3A_149 : vector<256x1xf32> to vector<256x512xf32>
      %add3A_152 = vector.broadcast %slice3A_150 : vector<1x512xf32> to vector<256x512xf32>
      %add3A_153 = arith.addf %add3A_151, %add3A_152 : vector<256x512xf32>
      %ge3A_154 = arith.constant 0.000000e+00 : f32
      %ge3A_155 = vector.broadcast %ge3A_154 : f32 to vector<256x512xf32>
      %ge3A_156 = arith.cmpf oge, %add3A_153, %ge3A_155 : vector<256x512xf32>
      %mul3A_157 = arith.constant 2.000000e-01 : f32
      %mul3A_158 = vector.broadcast %mul3A_157 : f32 to vector<256x512xf32>
      %mul3A_159 = arith.mulf %mul3A_158, %add3A_153 : vector<256x512xf32>
      %select_n3A_160 = arith.select %ge3A_156, %add3A_153, %mul3A_159 : vector<256x512xi1>, vector<256x512xf32>
      %exp3A_161 = math.exp %select_n3A_160 : vector<256x512xf32>
      %jit3A_162 = arith.constant 0.000000e+00 : f32
      %broadcast_in_dim3A_163 = vector.broadcast %jit3A_162 : f32 to vector<256x512xf32>
      %select_n3A_164 = arith.select %lt3A_119, %exp3A_161, %broadcast_in_dim3A_163 : vector<256x512xi1>, vector<256x512xf32>
      %slice3A_165 = vector.extract_strided_slice %get3A_137 {offsets = [0, 2], sizes = [256, 1], strides = [1, 1]} : vector<256x4xf32> to vector<256x1xf32>
      %slice3A_166 = vector.extract_strided_slice %get3A_9 {offsets = [2, 0], sizes = [1, 512], strides = [1, 1]} : vector<4x512xf32> to vector<1x512xf32>
      %add3A_167 = vector.broadcast %slice3A_165 : vector<256x1xf32> to vector<256x512xf32>
      %add3A_168 = vector.broadcast %slice3A_166 : vector<1x512xf32> to vector<256x512xf32>
      %add3A_169 = arith.addf %add3A_167, %add3A_168 : vector<256x512xf32>
      %ge3A_170 = arith.constant 0.000000e+00 : f32
      %ge3A_171 = vector.broadcast %ge3A_170 : f32 to vector<256x512xf32>
      %ge3A_172 = arith.cmpf oge, %add3A_169, %ge3A_171 : vector<256x512xf32>
      %mul3A_173 = arith.constant 2.000000e-01 : f32
      %mul3A_174 = vector.broadcast %mul3A_173 : f32 to vector<256x512xf32>
      %mul3A_175 = arith.mulf %mul3A_174, %add3A_169 : vector<256x512xf32>
      %select_n3A_176 = arith.select %ge3A_172, %add3A_169, %mul3A_175 : vector<256x512xi1>, vector<256x512xf32>
      %exp3A_177 = math.exp %select_n3A_176 : vector<256x512xf32>
      %jit3A_178 = arith.constant 0.000000e+00 : f32
      %broadcast_in_dim3A_179 = vector.broadcast %jit3A_178 : f32 to vector<256x512xf32>
      %select_n3A_180 = arith.select %lt3A_119, %exp3A_177, %broadcast_in_dim3A_179 : vector<256x512xi1>, vector<256x512xf32>
      %slice3A_181 = vector.extract_strided_slice %get3A_137 {offsets = [0, 3], sizes = [256, 1], strides = [1, 1]} : vector<256x4xf32> to vector<256x1xf32>
      %slice3A_182 = vector.extract_strided_slice %get3A_9 {offsets = [3, 0], sizes = [1, 512], strides = [1, 1]} : vector<4x512xf32> to vector<1x512xf32>
      %add3A_183 = vector.broadcast %slice3A_181 : vector<256x1xf32> to vector<256x512xf32>
      %add3A_184 = vector.broadcast %slice3A_182 : vector<1x512xf32> to vector<256x512xf32>
      %add3A_185 = arith.addf %add3A_183, %add3A_184 : vector<256x512xf32>
      %ge3A_186 = arith.constant 0.000000e+00 : f32
      %ge3A_187 = vector.broadcast %ge3A_186 : f32 to vector<256x512xf32>
      %ge3A_188 = arith.cmpf oge, %add3A_185, %ge3A_187 : vector<256x512xf32>
      %mul3A_189 = arith.constant 2.000000e-01 : f32
      %mul3A_190 = vector.broadcast %mul3A_189 : f32 to vector<256x512xf32>
      %mul3A_191 = arith.mulf %mul3A_190, %add3A_185 : vector<256x512xf32>
      %select_n3A_192 = arith.select %ge3A_188, %add3A_185, %mul3A_191 : vector<256x512xi1>, vector<256x512xf32>
      %exp3A_193 = math.exp %select_n3A_192 : vector<256x512xf32>
      %jit3A_194 = arith.constant 0.000000e+00 : f32
      %broadcast_in_dim3A_195 = vector.broadcast %jit3A_194 : f32 to vector<256x512xf32>
      %select_n3A_196 = arith.select %lt3A_119, %exp3A_193, %broadcast_in_dim3A_195 : vector<256x512xi1>, vector<256x512xf32>
      %reduce_sum3A_197 = arith.constant dense<0.000000e+00> : vector<512xf32>
      %reduce_sum3A_198 = vector.multi_reduction <add>, %select_n3A_148, %reduce_sum3A_197 [0] : vector<256x512xf32> to vector<512xf32>
      %broadcast_in_dim3A_199 = vector.shape_cast %reduce_sum3A_198 : vector<512xf32> to vector<1x512xf32>
      %add3A_200 = arith.addf %while3A_93, %broadcast_in_dim3A_199 : vector<1x512xf32>
      %reduce_sum3A_201 = arith.constant dense<0.000000e+00> : vector<512xf32>
      %reduce_sum3A_202 = vector.multi_reduction <add>, %select_n3A_164, %reduce_sum3A_201 [0] : vector<256x512xf32> to vector<512xf32>
      %broadcast_in_dim3A_203 = vector.shape_cast %reduce_sum3A_202 : vector<512xf32> to vector<1x512xf32>
      %add3A_204 = arith.addf %while3A_94, %broadcast_in_dim3A_203 : vector<1x512xf32>
      %reduce_sum3A_205 = arith.constant dense<0.000000e+00> : vector<512xf32>
      %reduce_sum3A_206 = vector.multi_reduction <add>, %select_n3A_180, %reduce_sum3A_205 [0] : vector<256x512xf32> to vector<512xf32>
      %broadcast_in_dim3A_207 = vector.shape_cast %reduce_sum3A_206 : vector<512xf32> to vector<1x512xf32>
      %add3A_208 = arith.addf %while3A_95, %broadcast_in_dim3A_207 : vector<1x512xf32>
      %reduce_sum3A_209 = arith.constant dense<0.000000e+00> : vector<512xf32>
      %reduce_sum3A_210 = vector.multi_reduction <add>, %select_n3A_196, %reduce_sum3A_209 [0] : vector<256x512xf32> to vector<512xf32>
      %broadcast_in_dim3A_211 = vector.shape_cast %reduce_sum3A_210 : vector<512xf32> to vector<1x512xf32>
      %add3A_212 = arith.addf %while3A_96, %broadcast_in_dim3A_211 : vector<1x512xf32>
      %min3A = arith.minsi %while3A_97, %while3A_92 : i32
      %select_n3A_213 = arith.select %gt3A_130, %min3A, %while3A_97 : i32
      %max3A_214 = arith.maxsi %while3A_98, %while3A_92 : i32
      %select_n3A_215 = arith.select %gt3A_130, %max3A_214, %while3A_98 : i32
      scf.yield %add3A_200, %add3A_204, %add3A_208, %add3A_212, %select_n3A_213, %select_n3A_215 : vector<1x512xf32>, vector<1x512xf32>, vector<1x512xf32>, vector<1x512xf32>, i32, i32
    }
    %add3A_36 = arith.constant 1.000000e-16 : f32
    %add3A_37 = vector.broadcast %add3A_36 : f32 to vector<1x512xf32>
    %add3A_38 = arith.addf %while3A_35#0, %add3A_37 : vector<1x512xf32>
    %add3A_39 = arith.constant 1.000000e-16 : f32
    %add3A_40 = vector.broadcast %add3A_39 : f32 to vector<1x512xf32>
    %add3A_41 = arith.addf %while3A_35#1, %add3A_40 : vector<1x512xf32>
    %add3A_42 = arith.constant 1.000000e-16 : f32
    %add3A_43 = vector.broadcast %add3A_42 : f32 to vector<1x512xf32>
    %add3A_44 = arith.addf %while3A_35#2, %add3A_43 : vector<1x512xf32>
    %add3A_45 = arith.constant 1.000000e-16 : f32
    %add3A_46 = vector.broadcast %add3A_45 : f32 to vector<1x512xf32>
    %add3A_47 = arith.addf %while3A_35#3, %add3A_46 : vector<1x512xf32>
    %add3A_48 = arith.constant 1 : i32
    %add3A_49 = arith.addi %while3A_35#5, %add3A_48 : i32
    %broadcast_in_dim3A_50 = arith.constant 0.000000e+00 : f32
    %broadcast_in_dim3A_51 = vector.broadcast %broadcast_in_dim3A_50 : f32 to vector<64x512xf32>
    %broadcast_in_dim3A_52 = arith.constant 0.000000e+00 : f32
    %broadcast_in_dim3A_53 = vector.broadcast %broadcast_in_dim3A_52 : f32 to vector<64x512xf32>
    %broadcast_in_dim3A_54 = arith.constant 0.000000e+00 : f32
    %broadcast_in_dim3A_55 = vector.broadcast %broadcast_in_dim3A_54 : f32 to vector<64x512xf32>
    %broadcast_in_dim3A_56 = arith.constant 0.000000e+00 : f32
    %broadcast_in_dim3A_57 = vector.broadcast %broadcast_in_dim3A_56 : f32 to vector<64x512xf32>
    %while3A_58 = arith.subi %add3A_49, %while3A_35#4 : i32
    %while3A_59 = arith.addi %while3A_35#4, %while3A_58 : i32
    %while3A_60 = arith.constant 1 : i32
    %while3A_61 = arith.divsi %while3A_58, %while3A_60 : i32
    %while3A_62 = arith.muli %while3A_61, %while3A_60 : i32
    %while3A_63 = arith.addi %while3A_35#4, %while3A_62 : i32
    %while3A_64 = arith.constant 1 : i32
    %while3A_65:4 = scf.for %while3A_92 = %while3A_35#4 to %while3A_63 step %while3A_64 iter_args(%while3A_93 = %broadcast_in_dim3A_51, %while3A_94 = %broadcast_in_dim3A_53, %while3A_95 = %broadcast_in_dim3A_55, %while3A_96 = %broadcast_in_dim3A_57) -> (vector<64x512xf32>, vector<64x512xf32>, vector<64x512xf32>, vector<64x512xf32>)  : i32 {
      %mul3A_97 = arith.constant 256 : i32
      %mul3A_98 = arith.muli %while3A_92, %mul3A_97 : i32
      %get3A_99 = arith.index_cast %mul3A_98 : i32 to index
      %get3A_100 = arith.constant 0 : index
      %get3A_101 = vector.load %arg14[%get3A_99, %get3A_100] : memref<4096x512xf32, #tpu.memory_space<vmem>>, vector<256x512xf32>
      %gt3A = arith.constant 0.000000e+00 : f32
      %gt3A_102 = vector.broadcast %gt3A : f32 to vector<256x512xf32>
      %gt3A_103 = arith.cmpf ogt, %get3A_101, %gt3A_102 : vector<256x512xf32>
      %mul3A_104 = arith.constant 256 : i32
      %mul3A_105 = arith.muli %while3A_92, %mul3A_104 : i32
      %get3A_106 = arith.constant 0 : index
      %get3A_107 = arith.index_cast %mul3A_105 : i32 to index
      %get3A_108 = arith.constant 0 : index
      %get3A_109 = vector.load %arg7[%get3A_106, %get3A_107, %get3A_108] : memref<1x4096x4xf32, #tpu.memory_space<vmem>>, vector<1x256x4xf32>
      %get3A_110 = vector.shape_cast %get3A_109 : vector<1x256x4xf32> to vector<256x4xf32>
      %slice3A = vector.extract_strided_slice %get3A_110 {offsets = [0, 0], sizes = [256, 1], strides = [1, 1]} : vector<256x4xf32> to vector<256x1xf32>
      %slice3A_111 = vector.extract_strided_slice %get3A_9 {offsets = [0, 0], sizes = [1, 512], strides = [1, 1]} : vector<4x512xf32> to vector<1x512xf32>
      %add3A_112 = vector.broadcast %slice3A : vector<256x1xf32> to vector<256x512xf32>
      %add3A_113 = vector.broadcast %slice3A_111 : vector<1x512xf32> to vector<256x512xf32>
      %add3A_114 = arith.addf %add3A_112, %add3A_113 : vector<256x512xf32>
      %ge3A = arith.constant 0.000000e+00 : f32
      %ge3A_115 = vector.broadcast %ge3A : f32 to vector<256x512xf32>
      %ge3A_116 = arith.cmpf oge, %add3A_114, %ge3A_115 : vector<256x512xf32>
      %mul3A_117 = arith.constant 2.000000e-01 : f32
      %mul3A_118 = vector.broadcast %mul3A_117 : f32 to vector<256x512xf32>
      %mul3A_119 = arith.mulf %mul3A_118, %add3A_114 : vector<256x512xf32>
      %select_n3A = arith.select %ge3A_116, %add3A_114, %mul3A_119 : vector<256x512xi1>, vector<256x512xf32>
      %exp3A = math.exp %select_n3A : vector<256x512xf32>
      %jit3A = arith.constant 0.000000e+00 : f32
      %broadcast_in_dim3A_120 = vector.broadcast %jit3A : f32 to vector<256x512xf32>
      %select_n3A_121 = arith.select %gt3A_103, %exp3A, %broadcast_in_dim3A_120 : vector<256x512xi1>, vector<256x512xf32>
      %slice3A_122 = vector.extract_strided_slice %get3A_110 {offsets = [0, 1], sizes = [256, 1], strides = [1, 1]} : vector<256x4xf32> to vector<256x1xf32>
      %slice3A_123 = vector.extract_strided_slice %get3A_9 {offsets = [1, 0], sizes = [1, 512], strides = [1, 1]} : vector<4x512xf32> to vector<1x512xf32>
      %add3A_124 = vector.broadcast %slice3A_122 : vector<256x1xf32> to vector<256x512xf32>
      %add3A_125 = vector.broadcast %slice3A_123 : vector<1x512xf32> to vector<256x512xf32>
      %add3A_126 = arith.addf %add3A_124, %add3A_125 : vector<256x512xf32>
      %ge3A_127 = arith.constant 0.000000e+00 : f32
      %ge3A_128 = vector.broadcast %ge3A_127 : f32 to vector<256x512xf32>
      %ge3A_129 = arith.cmpf oge, %add3A_126, %ge3A_128 : vector<256x512xf32>
      %mul3A_130 = arith.constant 2.000000e-01 : f32
      %mul3A_131 = vector.broadcast %mul3A_130 : f32 to vector<256x512xf32>
      %mul3A_132 = arith.mulf %mul3A_131, %add3A_126 : vector<256x512xf32>
      %select_n3A_133 = arith.select %ge3A_129, %add3A_126, %mul3A_132 : vector<256x512xi1>, vector<256x512xf32>
      %exp3A_134 = math.exp %select_n3A_133 : vector<256x512xf32>
      %jit3A_135 = arith.constant 0.000000e+00 : f32
      %broadcast_in_dim3A_136 = vector.broadcast %jit3A_135 : f32 to vector<256x512xf32>
      %select_n3A_137 = arith.select %gt3A_103, %exp3A_134, %broadcast_in_dim3A_136 : vector<256x512xi1>, vector<256x512xf32>
      %slice3A_138 = vector.extract_strided_slice %get3A_110 {offsets = [0, 2], sizes = [256, 1], strides = [1, 1]} : vector<256x4xf32> to vector<256x1xf32>
      %slice3A_139 = vector.extract_strided_slice %get3A_9 {offsets = [2, 0], sizes = [1, 512], strides = [1, 1]} : vector<4x512xf32> to vector<1x512xf32>
      %add3A_140 = vector.broadcast %slice3A_138 : vector<256x1xf32> to vector<256x512xf32>
      %add3A_141 = vector.broadcast %slice3A_139 : vector<1x512xf32> to vector<256x512xf32>
      %add3A_142 = arith.addf %add3A_140, %add3A_141 : vector<256x512xf32>
      %ge3A_143 = arith.constant 0.000000e+00 : f32
      %ge3A_144 = vector.broadcast %ge3A_143 : f32 to vector<256x512xf32>
      %ge3A_145 = arith.cmpf oge, %add3A_142, %ge3A_144 : vector<256x512xf32>
      %mul3A_146 = arith.constant 2.000000e-01 : f32
      %mul3A_147 = vector.broadcast %mul3A_146 : f32 to vector<256x512xf32>
      %mul3A_148 = arith.mulf %mul3A_147, %add3A_142 : vector<256x512xf32>
      %select_n3A_149 = arith.select %ge3A_145, %add3A_142, %mul3A_148 : vector<256x512xi1>, vector<256x512xf32>
      %exp3A_150 = math.exp %select_n3A_149 : vector<256x512xf32>
      %jit3A_151 = arith.constant 0.000000e+00 : f32
      %broadcast_in_dim3A_152 = vector.broadcast %jit3A_151 : f32 to vector<256x512xf32>
      %select_n3A_153 = arith.select %gt3A_103, %exp3A_150, %broadcast_in_dim3A_152 : vector<256x512xi1>, vector<256x512xf32>
      %slice3A_154 = vector.extract_strided_slice %get3A_110 {offsets = [0, 3], sizes = [256, 1], strides = [1, 1]} : vector<256x4xf32> to vector<256x1xf32>
      %slice3A_155 = vector.extract_strided_slice %get3A_9 {offsets = [3, 0], sizes = [1, 512], strides = [1, 1]} : vector<4x512xf32> to vector<1x512xf32>
      %add3A_156 = vector.broadcast %slice3A_154 : vector<256x1xf32> to vector<256x512xf32>
      %add3A_157 = vector.broadcast %slice3A_155 : vector<1x512xf32> to vector<256x512xf32>
      %add3A_158 = arith.addf %add3A_156, %add3A_157 : vector<256x512xf32>
      %ge3A_159 = arith.constant 0.000000e+00 : f32
      %ge3A_160 = vector.broadcast %ge3A_159 : f32 to vector<256x512xf32>
      %ge3A_161 = arith.cmpf oge, %add3A_158, %ge3A_160 : vector<256x512xf32>
      %mul3A_162 = arith.constant 2.000000e-01 : f32
      %mul3A_163 = vector.broadcast %mul3A_162 : f32 to vector<256x512xf32>
      %mul3A_164 = arith.mulf %mul3A_163, %add3A_158 : vector<256x512xf32>
      %select_n3A_165 = arith.select %ge3A_161, %add3A_158, %mul3A_164 : vector<256x512xi1>, vector<256x512xf32>
      %exp3A_166 = math.exp %select_n3A_165 : vector<256x512xf32>
      %jit3A_167 = arith.constant 0.000000e+00 : f32
      %broadcast_in_dim3A_168 = vector.broadcast %jit3A_167 : f32 to vector<256x512xf32>
      %select_n3A_169 = arith.select %gt3A_103, %exp3A_166, %broadcast_in_dim3A_168 : vector<256x512xi1>, vector<256x512xf32>
      %get3A_170 = arith.constant 0 : index
      %get3A_171 = arith.index_cast %mul3A_98 : i32 to index
      %get3A_172 = arith.constant 0 : index
      %get3A_173 = vector.load %arg6[%get3A_170, %get3A_171, %get3A_172] : memref<1x4096x256xf32, #tpu.memory_space<vmem>>, vector<1x256x256xf32>
      %get3A_174 = vector.shape_cast %get3A_173 : vector<1x256x256xf32> to vector<256x256xf32>
      %div3A = vector.broadcast %add3A_38 : vector<1x512xf32> to vector<256x512xf32>
      %div3A_175 = arith.divf %select_n3A_121, %div3A : vector<256x512xf32>
      %slice3A_176 = vector.extract_strided_slice %get3A_174 {offsets = [0, 0], sizes = [256, 64], strides = [1, 1]} : vector<256x256xf32> to vector<256x64xf32>
      %dot_general3A_177 = arith.constant dense<0.000000e+00> : vector<64x512xf32>
      %dot_general3A_178 = tpu.matmul %slice3A_176, %div3A_175, %dot_general3A_177 {dimension_numbers = #tpu.dot_dimension_numbers<[0], [0], [1], [1], [0, 1, 1, 1], [], []>, transpose_lhs_hint = false} : vector<256x64xf32>, vector<256x512xf32>, vector<64x512xf32> -> vector<64x512xf32>
      %add3A_179 = arith.addf %while3A_93, %dot_general3A_178 : vector<64x512xf32>
      %div3A_180 = vector.broadcast %add3A_41 : vector<1x512xf32> to vector<256x512xf32>
      %div3A_181 = arith.divf %select_n3A_137, %div3A_180 : vector<256x512xf32>
      %slice3A_182 = vector.extract_strided_slice %get3A_174 {offsets = [0, 64], sizes = [256, 64], strides = [1, 1]} : vector<256x256xf32> to vector<256x64xf32>
      %dot_general3A_183 = arith.constant dense<0.000000e+00> : vector<64x512xf32>
      %dot_general3A_184 = tpu.matmul %slice3A_182, %div3A_181, %dot_general3A_183 {dimension_numbers = #tpu.dot_dimension_numbers<[0], [0], [1], [1], [0, 1, 1, 1], [], []>, transpose_lhs_hint = false} : vector<256x64xf32>, vector<256x512xf32>, vector<64x512xf32> -> vector<64x512xf32>
      %add3A_185 = arith.addf %while3A_94, %dot_general3A_184 : vector<64x512xf32>
      %div3A_186 = vector.broadcast %add3A_44 : vector<1x512xf32> to vector<256x512xf32>
      %div3A_187 = arith.divf %select_n3A_153, %div3A_186 : vector<256x512xf32>
      %slice3A_188 = vector.extract_strided_slice %get3A_174 {offsets = [0, 128], sizes = [256, 64], strides = [1, 1]} : vector<256x256xf32> to vector<256x64xf32>
      %dot_general3A_189 = arith.constant dense<0.000000e+00> : vector<64x512xf32>
      %dot_general3A_190 = tpu.matmul %slice3A_188, %div3A_187, %dot_general3A_189 {dimension_numbers = #tpu.dot_dimension_numbers<[0], [0], [1], [1], [0, 1, 1, 1], [], []>, transpose_lhs_hint = false} : vector<256x64xf32>, vector<256x512xf32>, vector<64x512xf32> -> vector<64x512xf32>
      %add3A_191 = arith.addf %while3A_95, %dot_general3A_190 : vector<64x512xf32>
      %div3A_192 = vector.broadcast %add3A_47 : vector<1x512xf32> to vector<256x512xf32>
      %div3A_193 = arith.divf %select_n3A_169, %div3A_192 : vector<256x512xf32>
      %slice3A_194 = vector.extract_strided_slice %get3A_174 {offsets = [0, 192], sizes = [256, 64], strides = [1, 1]} : vector<256x256xf32> to vector<256x64xf32>
      %dot_general3A_195 = arith.constant dense<0.000000e+00> : vector<64x512xf32>
      %dot_general3A_196 = tpu.matmul %slice3A_194, %div3A_193, %dot_general3A_195 {dimension_numbers = #tpu.dot_dimension_numbers<[0], [0], [1], [1], [0, 1, 1, 1], [], []>, transpose_lhs_hint = false} : vector<256x64xf32>, vector<256x512xf32>, vector<64x512xf32> -> vector<64x512xf32>
      %add3A_197 = arith.addf %while3A_96, %dot_general3A_196 : vector<64x512xf32>
      scf.yield %add3A_179, %add3A_185, %add3A_191, %add3A_197 : vector<64x512xf32>, vector<64x512xf32>, vector<64x512xf32>, vector<64x512xf32>
    }
    %while3A_66 = arith.constant 1 : i32
    %while3A_67:4 = scf.for %while3A_92 = %while3A_63 to %while3A_59 step %while3A_66 iter_args(%while3A_93 = %while3A_65#0, %while3A_94 = %while3A_65#1, %while3A_95 = %while3A_65#2, %while3A_96 = %while3A_65#3) -> (vector<64x512xf32>, vector<64x512xf32>, vector<64x512xf32>, vector<64x512xf32>)  : i32 {
      %mul3A_97 = arith.constant 256 : i32
      %mul3A_98 = arith.muli %while3A_92, %mul3A_97 : i32
      %get3A_99 = arith.index_cast %mul3A_98 : i32 to index
      %get3A_100 = arith.constant 0 : index
      %get3A_101 = vector.load %arg14[%get3A_99, %get3A_100] : memref<4096x512xf32, #tpu.memory_space<vmem>>, vector<256x512xf32>
      %gt3A = arith.constant 0.000000e+00 : f32
      %gt3A_102 = vector.broadcast %gt3A : f32 to vector<256x512xf32>
      %gt3A_103 = arith.cmpf ogt, %get3A_101, %gt3A_102 : vector<256x512xf32>
      %mul3A_104 = arith.constant 256 : i32
      %mul3A_105 = arith.muli %while3A_92, %mul3A_104 : i32
      %get3A_106 = arith.constant 0 : index
      %get3A_107 = arith.index_cast %mul3A_105 : i32 to index
      %get3A_108 = arith.constant 0 : index
      %get3A_109 = vector.load %arg7[%get3A_106, %get3A_107, %get3A_108] : memref<1x4096x4xf32, #tpu.memory_space<vmem>>, vector<1x256x4xf32>
      %get3A_110 = vector.shape_cast %get3A_109 : vector<1x256x4xf32> to vector<256x4xf32>
      %slice3A = vector.extract_strided_slice %get3A_110 {offsets = [0, 0], sizes = [256, 1], strides = [1, 1]} : vector<256x4xf32> to vector<256x1xf32>
      %slice3A_111 = vector.extract_strided_slice %get3A_9 {offsets = [0, 0], sizes = [1, 512], strides = [1, 1]} : vector<4x512xf32> to vector<1x512xf32>
      %add3A_112 = vector.broadcast %slice3A : vector<256x1xf32> to vector<256x512xf32>
      %add3A_113 = vector.broadcast %slice3A_111 : vector<1x512xf32> to vector<256x512xf32>
      %add3A_114 = arith.addf %add3A_112, %add3A_113 : vector<256x512xf32>
      %ge3A = arith.constant 0.000000e+00 : f32
      %ge3A_115 = vector.broadcast %ge3A : f32 to vector<256x512xf32>
      %ge3A_116 = arith.cmpf oge, %add3A_114, %ge3A_115 : vector<256x512xf32>
      %mul3A_117 = arith.constant 2.000000e-01 : f32
      %mul3A_118 = vector.broadcast %mul3A_117 : f32 to vector<256x512xf32>
      %mul3A_119 = arith.mulf %mul3A_118, %add3A_114 : vector<256x512xf32>
      %select_n3A = arith.select %ge3A_116, %add3A_114, %mul3A_119 : vector<256x512xi1>, vector<256x512xf32>
      %exp3A = math.exp %select_n3A : vector<256x512xf32>
      %jit3A = arith.constant 0.000000e+00 : f32
      %broadcast_in_dim3A_120 = vector.broadcast %jit3A : f32 to vector<256x512xf32>
      %select_n3A_121 = arith.select %gt3A_103, %exp3A, %broadcast_in_dim3A_120 : vector<256x512xi1>, vector<256x512xf32>
      %slice3A_122 = vector.extract_strided_slice %get3A_110 {offsets = [0, 1], sizes = [256, 1], strides = [1, 1]} : vector<256x4xf32> to vector<256x1xf32>
      %slice3A_123 = vector.extract_strided_slice %get3A_9 {offsets = [1, 0], sizes = [1, 512], strides = [1, 1]} : vector<4x512xf32> to vector<1x512xf32>
      %add3A_124 = vector.broadcast %slice3A_122 : vector<256x1xf32> to vector<256x512xf32>
      %add3A_125 = vector.broadcast %slice3A_123 : vector<1x512xf32> to vector<256x512xf32>
      %add3A_126 = arith.addf %add3A_124, %add3A_125 : vector<256x512xf32>
      %ge3A_127 = arith.constant 0.000000e+00 : f32
      %ge3A_128 = vector.broadcast %ge3A_127 : f32 to vector<256x512xf32>
      %ge3A_129 = arith.cmpf oge, %add3A_126, %ge3A_128 : vector<256x512xf32>
      %mul3A_130 = arith.constant 2.000000e-01 : f32
      %mul3A_131 = vector.broadcast %mul3A_130 : f32 to vector<256x512xf32>
      %mul3A_132 = arith.mulf %mul3A_131, %add3A_126 : vector<256x512xf32>
      %select_n3A_133 = arith.select %ge3A_129, %add3A_126, %mul3A_132 : vector<256x512xi1>, vector<256x512xf32>
      %exp3A_134 = math.exp %select_n3A_133 : vector<256x512xf32>
      %jit3A_135 = arith.constant 0.000000e+00 : f32
      %broadcast_in_dim3A_136 = vector.broadcast %jit3A_135 : f32 to vector<256x512xf32>
      %select_n3A_137 = arith.select %gt3A_103, %exp3A_134, %broadcast_in_dim3A_136 : vector<256x512xi1>, vector<256x512xf32>
      %slice3A_138 = vector.extract_strided_slice %get3A_110 {offsets = [0, 2], sizes = [256, 1], strides = [1, 1]} : vector<256x4xf32> to vector<256x1xf32>
      %slice3A_139 = vector.extract_strided_slice %get3A_9 {offsets = [2, 0], sizes = [1, 512], strides = [1, 1]} : vector<4x512xf32> to vector<1x512xf32>
      %add3A_140 = vector.broadcast %slice3A_138 : vector<256x1xf32> to vector<256x512xf32>
      %add3A_141 = vector.broadcast %slice3A_139 : vector<1x512xf32> to vector<256x512xf32>
      %add3A_142 = arith.addf %add3A_140, %add3A_141 : vector<256x512xf32>
      %ge3A_143 = arith.constant 0.000000e+00 : f32
      %ge3A_144 = vector.broadcast %ge3A_143 : f32 to vector<256x512xf32>
      %ge3A_145 = arith.cmpf oge, %add3A_142, %ge3A_144 : vector<256x512xf32>
      %mul3A_146 = arith.constant 2.000000e-01 : f32
      %mul3A_147 = vector.broadcast %mul3A_146 : f32 to vector<256x512xf32>
      %mul3A_148 = arith.mulf %mul3A_147, %add3A_142 : vector<256x512xf32>
      %select_n3A_149 = arith.select %ge3A_145, %add3A_142, %mul3A_148 : vector<256x512xi1>, vector<256x512xf32>
      %exp3A_150 = math.exp %select_n3A_149 : vector<256x512xf32>
      %jit3A_151 = arith.constant 0.000000e+00 : f32
      %broadcast_in_dim3A_152 = vector.broadcast %jit3A_151 : f32 to vector<256x512xf32>
      %select_n3A_153 = arith.select %gt3A_103, %exp3A_150, %broadcast_in_dim3A_152 : vector<256x512xi1>, vector<256x512xf32>
      %slice3A_154 = vector.extract_strided_slice %get3A_110 {offsets = [0, 3], sizes = [256, 1], strides = [1, 1]} : vector<256x4xf32> to vector<256x1xf32>
      %slice3A_155 = vector.extract_strided_slice %get3A_9 {offsets = [3, 0], sizes = [1, 512], strides = [1, 1]} : vector<4x512xf32> to vector<1x512xf32>
      %add3A_156 = vector.broadcast %slice3A_154 : vector<256x1xf32> to vector<256x512xf32>
      %add3A_157 = vector.broadcast %slice3A_155 : vector<1x512xf32> to vector<256x512xf32>
      %add3A_158 = arith.addf %add3A_156, %add3A_157 : vector<256x512xf32>
      %ge3A_159 = arith.constant 0.000000e+00 : f32
      %ge3A_160 = vector.broadcast %ge3A_159 : f32 to vector<256x512xf32>
      %ge3A_161 = arith.cmpf oge, %add3A_158, %ge3A_160 : vector<256x512xf32>
      %mul3A_162 = arith.constant 2.000000e-01 : f32
      %mul3A_163 = vector.broadcast %mul3A_162 : f32 to vector<256x512xf32>
      %mul3A_164 = arith.mulf %mul3A_163, %add3A_158 : vector<256x512xf32>
      %select_n3A_165 = arith.select %ge3A_161, %add3A_158, %mul3A_164 : vector<256x512xi1>, vector<256x512xf32>
      %exp3A_166 = math.exp %select_n3A_165 : vector<256x512xf32>
      %jit3A_167 = arith.constant 0.000000e+00 : f32
      %broadcast_in_dim3A_168 = vector.broadcast %jit3A_167 : f32 to vector<256x512xf32>
      %select_n3A_169 = arith.select %gt3A_103, %exp3A_166, %broadcast_in_dim3A_168 : vector<256x512xi1>, vector<256x512xf32>
      %get3A_170 = arith.constant 0 : index
      %get3A_171 = arith.index_cast %mul3A_98 : i32 to index
      %get3A_172 = arith.constant 0 : index
      %get3A_173 = vector.load %arg6[%get3A_170, %get3A_171, %get3A_172] : memref<1x4096x256xf32, #tpu.memory_space<vmem>>, vector<1x256x256xf32>
      %get3A_174 = vector.shape_cast %get3A_173 : vector<1x256x256xf32> to vector<256x256xf32>
      %div3A = vector.broadcast %add3A_38 : vector<1x512xf32> to vector<256x512xf32>
      %div3A_175 = arith.divf %select_n3A_121, %div3A : vector<256x512xf32>
      %slice3A_176 = vector.extract_strided_slice %get3A_174 {offsets = [0, 0], sizes = [256, 64], strides = [1, 1]} : vector<256x256xf32> to vector<256x64xf32>
      %dot_general3A_177 = arith.constant dense<0.000000e+00> : vector<64x512xf32>
      %dot_general3A_178 = tpu.matmul %slice3A_176, %div3A_175, %dot_general3A_177 {dimension_numbers = #tpu.dot_dimension_numbers<[0], [0], [1], [1], [0, 1, 1, 1], [], []>, transpose_lhs_hint = false} : vector<256x64xf32>, vector<256x512xf32>, vector<64x512xf32> -> vector<64x512xf32>
      %add3A_179 = arith.addf %while3A_93, %dot_general3A_178 : vector<64x512xf32>
      %div3A_180 = vector.broadcast %add3A_41 : vector<1x512xf32> to vector<256x512xf32>
      %div3A_181 = arith.divf %select_n3A_137, %div3A_180 : vector<256x512xf32>
      %slice3A_182 = vector.extract_strided_slice %get3A_174 {offsets = [0, 64], sizes = [256, 64], strides = [1, 1]} : vector<256x256xf32> to vector<256x64xf32>
      %dot_general3A_183 = arith.constant dense<0.000000e+00> : vector<64x512xf32>
      %dot_general3A_184 = tpu.matmul %slice3A_182, %div3A_181, %dot_general3A_183 {dimension_numbers = #tpu.dot_dimension_numbers<[0], [0], [1], [1], [0, 1, 1, 1], [], []>, transpose_lhs_hint = false} : vector<256x64xf32>, vector<256x512xf32>, vector<64x512xf32> -> vector<64x512xf32>
      %add3A_185 = arith.addf %while3A_94, %dot_general3A_184 : vector<64x512xf32>
      %div3A_186 = vector.broadcast %add3A_44 : vector<1x512xf32> to vector<256x512xf32>
      %div3A_187 = arith.divf %select_n3A_153, %div3A_186 : vector<256x512xf32>
      %slice3A_188 = vector.extract_strided_slice %get3A_174 {offsets = [0, 128], sizes = [256, 64], strides = [1, 1]} : vector<256x256xf32> to vector<256x64xf32>
      %dot_general3A_189 = arith.constant dense<0.000000e+00> : vector<64x512xf32>
      %dot_general3A_190 = tpu.matmul %slice3A_188, %div3A_187, %dot_general3A_189 {dimension_numbers = #tpu.dot_dimension_numbers<[0], [0], [1], [1], [0, 1, 1, 1], [], []>, transpose_lhs_hint = false} : vector<256x64xf32>, vector<256x512xf32>, vector<64x512xf32> -> vector<64x512xf32>
      %add3A_191 = arith.addf %while3A_95, %dot_general3A_190 : vector<64x512xf32>
      %div3A_192 = vector.broadcast %add3A_47 : vector<1x512xf32> to vector<256x512xf32>
      %div3A_193 = arith.divf %select_n3A_169, %div3A_192 : vector<256x512xf32>
      %slice3A_194 = vector.extract_strided_slice %get3A_174 {offsets = [0, 192], sizes = [256, 64], strides = [1, 1]} : vector<256x256xf32> to vector<256x64xf32>
      %dot_general3A_195 = arith.constant dense<0.000000e+00> : vector<64x512xf32>
      %dot_general3A_196 = tpu.matmul %slice3A_194, %div3A_193, %dot_general3A_195 {dimension_numbers = #tpu.dot_dimension_numbers<[0], [0], [1], [1], [0, 1, 1, 1], [], []>, transpose_lhs_hint = false} : vector<256x64xf32>, vector<256x512xf32>, vector<64x512xf32> -> vector<64x512xf32>
      %add3A_197 = arith.addf %while3A_96, %dot_general3A_196 : vector<64x512xf32>
      scf.yield %add3A_179, %add3A_185, %add3A_191, %add3A_197 : vector<64x512xf32>, vector<64x512xf32>, vector<64x512xf32>, vector<64x512xf32>
    }
    %transpose3A = tpu.transpose %while3A_67#0, [1, 0] : vector<64x512xf32> -> vector<512x64xf32>
    %transpose3A_68 = tpu.transpose %while3A_67#1, [1, 0] : vector<64x512xf32> -> vector<512x64xf32>
    %transpose3A_69 = tpu.transpose %while3A_67#2, [1, 0] : vector<64x512xf32> -> vector<512x64xf32>
    %transpose3A_70 = tpu.transpose %while3A_67#3, [1, 0] : vector<64x512xf32> -> vector<512x64xf32>
    %concatenate3A = tpu.concatenate %transpose3A, %transpose3A_68, %transpose3A_69, %transpose3A_70 in 1 : vector<512x64xf32>, vector<512x64xf32>, vector<512x64xf32>, vector<512x64xf32> -> vector<512x256xf32>
    %get3A_71 = arith.constant 0 : index
    %get3A_72 = arith.constant 0 : index
    %get3A_73 = vector.load %arg9[%get3A_71, %get3A_72] : memref<1x256xf32, #tpu.memory_space<vmem>>, vector<1x256xf32>
    %add3A_74 = vector.broadcast %get3A_73 : vector<1x256xf32> to vector<512x256xf32>
    %add3A_75 = arith.addf %concatenate3A, %add3A_74 : vector<512x256xf32>
    %max3A = arith.constant 0.000000e+00 : f32
    %max3A_76 = vector.broadcast %max3A : f32 to vector<512x256xf32>
    %max3A_77 = arith.maximumf %add3A_75, %max3A_76 : vector<512x256xf32>
    %get3A_78 = arith.constant 0 : index
    %get3A_79 = arith.constant 0 : index
    %get3A_80 = vector.load %arg10[%get3A_78, %get3A_79] : memref<256x2xf32, #tpu.memory_space<vmem>>, vector<256x2xf32>
    %dot_general3A = arith.constant dense<0.000000e+00> : vector<512x2xf32>
    %dot_general3A_81 = tpu.matmul %max3A_77, %get3A_80, %dot_general3A {dimension_numbers = #tpu.dot_dimension_numbers<[1], [0], [0], [1], [0, 0, 1, 1], [], []>, transpose_lhs_hint = false} : vector<512x256xf32>, vector<256x2xf32>, vector<512x2xf32> -> vector<512x2xf32>
    %get3A_82 = arith.constant 0 : index
    %get3A_83 = arith.constant 0 : index
    %get3A_84 = vector.load %arg11[%get3A_82, %get3A_83] : memref<1x2xf32, #tpu.memory_space<vmem>>, vector<1x2xf32>
    %add3A_85 = vector.broadcast %get3A_84 : vector<1x2xf32> to vector<512x2xf32>
    %add3A_86 = arith.addf %dot_general3A_81, %add3A_85 : vector<512x2xf32>
    %swap3A = arith.constant 0 : index
    %swap3A_87 = arith.constant 0 : index
    %swap3A_88 = arith.constant 0 : index
    %swap3A_89 = vector.load %arg13[%swap3A, %swap3A_87, %swap3A_88] : memref<1x512x2xf32, #tpu.memory_space<vmem>>, vector<1x512x2xf32>
    %swap3A_90 = vector.shape_cast %swap3A_89 : vector<1x512x2xf32> to vector<512x2xf32>
    %swap3A_91 = vector.shape_cast %add3A_86 : vector<512x2xf32> to vector<1x512x2xf32>
    tpu.vector_store %arg13[%swap3A, %swap3A_87, %swap3A_88], %swap3A_91 {strides = array<i32>} : memref<1x512x2xf32, #tpu.memory_space<vmem>>, vector<1x512x2xf32>,
    return
  }
  func.func @transform_0(%arg0: i32, %arg1: i32, %arg2: memref<2x8xi32, #tpu.memory_space<smem>>, %arg3: memref<2x8xi32, #tpu.memory_space<smem>>) -> (i32, i32, i32) {
    %c0_i32 = arith.constant 0 : i32
    %c0_i32_0 = arith.constant 0 : i32
    return %arg0, %c0_i32, %arg1 : i32, i32, i32
  }
  func.func @transform_1(%arg0: i32, %arg1: i32, %arg2: memref<2x8xi32, #tpu.memory_space<smem>>, %arg3: memref<2x8xi32, #tpu.memory_space<smem>>) -> (i32, i32, i32) {
    %c0_i32 = arith.constant 0 : i32
    %c0_i32_0 = arith.constant 0 : i32
    %c0_i32_1 = arith.constant 0 : i32
    return %arg0, %c0_i32, %c0_i32_0 : i32, i32, i32
  }
  func.func @transform_2(%arg0: i32, %arg1: i32, %arg2: memref<2x8xi32, #tpu.memory_space<smem>>, %arg3: memref<2x8xi32, #tpu.memory_space<smem>>) -> (i32, i32, i32) {
    %c0_i32 = arith.constant 0 : i32
    %c0_i32_0 = arith.constant 0 : i32
    %c0_i32_1 = arith.constant 0 : i32
    return %arg0, %c0_i32, %c0_i32_0 : i32, i32, i32
  }
  func.func @transform_3(%arg0: i32, %arg1: i32, %arg2: memref<2x8xi32, #tpu.memory_space<smem>>, %arg3: memref<2x8xi32, #tpu.memory_space<smem>>) -> (i32, i32, i32) {
    %c0_i32 = arith.constant 0 : i32
    %c0_i32_0 = arith.constant 0 : i32
    %c0_i32_1 = arith.constant 0 : i32
    return %arg0, %c0_i32, %c0_i32_0 : i32, i32, i32
  }
  func.func @transform_4(%arg0: i32, %arg1: i32, %arg2: memref<2x8xi32, #tpu.memory_space<smem>>, %arg3: memref<2x8xi32, #tpu.memory_space<smem>>) -> (i32, i32, i32) {
    %c0_i32 = arith.constant 0 : i32
    %c0_i32_0 = arith.constant 0 : i32
    return %arg0, %c0_i32, %arg1 : i32, i32, i32
  }
  func.func @transform_5(%arg0: i32, %arg1: i32, %arg2: memref<2x8xi32, #tpu.memory_space<smem>>, %arg3: memref<2x8xi32, #tpu.memory_space<smem>>) -> (i32, i32) {
    %c0_i32 = arith.constant 0 : i32
    %c0_i32_0 = arith.constant 0 : i32
    %c0_i32_1 = arith.constant 0 : i32
    return %c0_i32, %c0_i32_0 : i32, i32
  }
  func.func @transform_6(%arg0: i32, %arg1: i32, %arg2: memref<2x8xi32, #tpu.memory_space<smem>>, %arg3: memref<2x8xi32, #tpu.memory_space<smem>>) -> (i32, i32) {
    %c0_i32 = arith.constant 0 : i32
    %c0_i32_0 = arith.constant 0 : i32
    %c0_i32_1 = arith.constant 0 : i32
    return %c0_i32, %c0_i32_0 : i32, i32
  }
  func.func @transform_7(%arg0: i32, %arg1: i32, %arg2: memref<2x8xi32, #tpu.memory_space<smem>>, %arg3: memref<2x8xi32, #tpu.memory_space<smem>>) -> (i32, i32) {
    %c0_i32 = arith.constant 0 : i32
    %c0_i32_0 = arith.constant 0 : i32
    %c0_i32_1 = arith.constant 0 : i32
    return %c0_i32, %c0_i32_0 : i32, i32
  }
  func.func @transform_8(%arg0: i32, %arg1: i32, %arg2: memref<2x8xi32, #tpu.memory_space<smem>>, %arg3: memref<2x8xi32, #tpu.memory_space<smem>>) -> (i32, i32) {
    %c0_i32 = arith.constant 0 : i32
    %c0_i32_0 = arith.constant 0 : i32
    %c0_i32_1 = arith.constant 0 : i32
    return %c0_i32, %c0_i32_0 : i32, i32
  }
  func.func @transform_9(%arg0: i32, %arg1: i32, %arg2: memref<2x8xi32, #tpu.memory_space<smem>>, %arg3: memref<2x8xi32, #tpu.memory_space<smem>>) -> (i32, i32, i32) {
    %c0_i32 = arith.constant 0 : i32
    %c0_i32_0 = arith.constant 0 : i32
    return %arg0, %arg1, %c0_i32 : i32, i32, i32
  }
}

</mosaic_0001>

<sc_bundles>
// kernel: gather_offload_async_start.1
scs
__scs_entry_jumppad:
0x0: {  	(pc) =	sbr.rel $0x88, $3  }
0x1: {  	(tag) =	ssettag $0x0;
	lr =	simm.s32 $0x1  }
0x2: {  	[smem:$0x3F95] =	sst lr;
	_ =	strace $0xD0000000  }
0x3: {  	_ = 	snop  }
0x4: {  	_ = 	snop  }
0x5: {  	_ = 	snop  }
0x6: {  	_ = 	snop  }
0x7: {  	_ = 	snop  }
__scs_overlays_trampoline_lowered:
0x8: {  	[smem:$0x3FA4] =	sst s0  }
0x9: {  	[smem:$0x3FA5] =	sst s1  }
0xa: {  	[smem:$0x3FA6] =	sst s2  }
0xb: {  	[smem:$0x3FA7] =	sst s3  }
0xc: {  	[smem:$0x3FA8] =	sst s4  }
0xd: {  	[smem:$0x3FA9] =	sst s5  }
0xe: {  	[smem:$0x3FAA] =	sst s6  }
0xf: {  	[smem:$0x3FAB] =	sst s7  }
0x10: {  	[smem:$0x3FAC] =	sst s8  }
0x11: {  	[smem:$0x3FAD] =	sst s9;
	s0 =	simm.s32 @!p0 $0x0  }
0x12: {  	s1 =	sld [smem:$0x3F93];
	s0 =	simm.s32 @p0 $0x1  }
0x13: {  	[smem:$0x3FAE] =	sst s0;
	s0 =	simm.s32 @!p1 $0x0  }
0x14: {  	s2 =	sld [smem:$0x3F92];
	s0 =	simm.s32 @p1 $0x1  }
0x15: {  	[smem:$0x3FAF] =	sst s0;
	s0 =	simm.s32 @!p2 $0x0  }
0x16: {  	s3 =	sld [smem:$0x3FDB];
	s0 =	simm.s32 @p2 $0x1  }
0x17: {  	s4 =	simm.s32 $0x1BF5;
	[smem:$0x3FB1] =	sst s0  }
0x18: {  	s0 =	sld [smem:$0x3F94];
	_ =	swait.ge [sflag:s4], $0x0  }
0x19: {  	s7 =	sld [smem:$0x3F95]  }
0x1a: {  	s8 =	sadd.s32 $0xFFFFE003, lr  }
0x1b: {  	s9 =	sadd.s32 $0xFFFFFEF7, lr;
	s5 =	simm.s32 $0xFFFFFFFF;
	p2 =	slt.u32 s8, $0xFFFFF086  }
0x1c: {  	p1 =	slt.u32 s9, $0xF7A;
	s5 =	simm.s32 @!p2 $0x0  }
0x1d: {  	s5 =	simm.s32 @p1 $0x1;
	p0 =	seq.s32 s7, s2  }
0x1e: {  	s7 =	smul.u32 @!p0 $0xF7A, s2;
	p2 =	seq.s32 @!p0 s5, $0x0  }
0x1f: {  	s9 =	smul.u32 $0xF7A, s1;
	s8 =	simm.s32 @!p0 $0x1BF5;
	p2 =	por !p2, p0  }
0x20: {  	[sflag:s8] =	ssyncset.s32 @!p0 $0xFFFFF086;
	s6 =	sadd.s32 @!p0 s3, s7;
	s7 =	simm.s32 @!p0 $0x108  }
0x21: {  	s3 =	sadd.s32 s3, s9;
	s6 =	sadd.s32 @!p0 $0x88, s6;
	s7 =	simm.s32 @p2 $0x1082  }
0x22: {  	[simem:s7], [sflag:s8] =	dma.local @!p0 [hbm:s6], $0xF7A  }
0x23: {  	s9 =	sor.u32 $0xD0000000, s2;
	s6 =	simm.s32 $0x108;
	_ =	swait.ge @!p0 [sflag:s8], $0x0  }
0x24: {  	s3 =	sadd.s32 $0x88, s3;
	s6 =	simm.s32 @!p1 $0x1082;
	[sflag:s4] =	ssyncset.s32 $0xFFFFF086  }
0x25: {  	[simem:s6], [sflag:s4] =	dma.local [hbm:s3], $0xF7A  }
0x26: {  	[smem:$0x3F95] =	sst s1;
	(tag) =	ssettag s2;
	_ =	strace s9  }
0x27: {  	s1 =	sld [smem:$0x3FA5]  }
0x28: {  	s2 =	sld [smem:$0x3FA6]  }
0x29: {  	s4 =	sld [smem:$0x3FA8]  }
0x2a: {  	p0 =	seq.s32 s5, $0x0;
	s5 =	sld [smem:$0x3FA9]  }
0x2b: {  	s6 =	sld [smem:$0x3FAA]  }
0x2c: {  	s7 =	sld [smem:$0x3FAB]  }
0x2d: {  	s3 =	simm.s32 $0x108;
	s8 =	sld [smem:$0x3FAC]  }
0x2e: {  	s3 =	simm.s32 @!p0 $0x1082;
	s9 =	sld [smem:$0x3FAD]  }
0x2f: {  	lr =	sadd.s32 s0, s3;
	s0 =	sld [smem:$0x3FA4]  }
0x30: {  	s3 =	sld [smem:$0x3FA7]  }
0x31: {  	[smem:$0x3FB0] =	sst s10  }
0x32: {  	s10 =	sld [smem:$0x3FAE];
	_ =	sdelay $0x3  }
0x33: {  	p0 =	seq.s32 s10, $0x1;
	s10 =	sld [smem:$0x3FB0];
	_ =	sdelay $0x3  }
0x34: {  	[smem:$0x3FB0] =	sst s10  }
0x35: {  	s10 =	sld [smem:$0x3FAF];
	_ =	sdelay $0x3  }
0x36: {  	p1 =	seq.s32 s10, $0x1;
	s10 =	sld [smem:$0x3FB0];
	_ =	sdelay $0x3  }
0x37: {  	[smem:$0x3FB0] =	sst s10  }
0x38: {  	s10 =	sld [smem:$0x3FB1]  }
0x39: {  	_ = 	snop;
	(pc) =	sbr.ind lr, $3  }
0x3a: {  	_ = 	snop  }
0x3b: {  	_ = 	snop  }
0x3c: {  	p2 =	seq.s32 s10, $0x1;
	s10 =	sld [smem:$0x3FB0]  }
0x3d: {  	_ =	shalt  }
0x3e: {  	_ =	shalt  }
0x3f: {  	_ =	shalt  }
0x40: {  	_ =	shalt  }
0x41: {  	_ =	shalt  }
0x42: {  	_ =	shalt  }
0x43: {  	_ =	shalt  }
0x44: {  	_ =	shalt  }
0x45: {  	_ =	shalt  }
0x46: {  	_ =	shalt  }
0x47: {  	_ =	shalt  }
0x48: {  	_ =	shalt  }
0x49: {  	_ =	shalt  }
0x4a: {  	_ =	shalt  }
0x4b: {  	_ =	shalt  }
0x4c: {  	_ =	shalt  }
0x4d: {  	_ =	shalt  }
0x4e: {  	_ =	shalt  }
0x4f: {  	_ =	shalt  }
0x50: {  	_ =	shalt  }
0x51: {  	_ =	shalt  }
0x52: {  	_ =	shalt  }
0x53: {  	_ =	shalt  }
0x54: {  	_ =	shalt  }
0x55: {  	_ =	shalt  }
0x56: {  	_ =	shalt  }
0x57: {  	_ =	shalt  }
0x58: {  	_ =	shalt  }
0x59: {  	_ =	shalt  }
0x5a: {  	_ =	shalt  }
0x5b: {  	_ =	shalt  }
0x5c: {  	_ =	shalt  }
0x5d: {  	_ =	shalt  }
0x5e: {  	_ =	shalt  }
0x5f: {  	_ =	shalt  }
0x60: {  	_ =	shalt  }
0x61: {  	_ =	shalt  }
0x62: {  	_ =	shalt  }
0x63: {  	_ =	shalt  }
0x64: {  	_ =	shalt  }
0x65: {  	_ =	shalt  }
0x66: {  	_ =	shalt  }
0x67: {  	_ =	shalt  }
0x68: {  	_ =	shalt  }
0x69: {  	_ =	shalt  }
0x6a: {  	_ =	shalt  }
0x6b: {  	_ =	shalt  }
0x6c: {  	_ =	shalt  }
0x6d: {  	_ =	shalt  }
0x6e: {  	_ =	shalt  }
0x6f: {  	_ =	shalt  }
0x70: {  	_ =	shalt  }
0x71: {  	_ =	shalt  }
0x72: {  	_ =	shalt  }
0x73: {  	_ =	shalt  }
0x74: {  	_ =	shalt  }
0x75: {  	_ =	shalt  }
0x76: {  	_ =	shalt  }
0x77: {  	_ =	shalt  }
0x78: {  	_ =	shalt  }
0x79: {  	_ =	shalt  }
0x7a: {  	_ =	shalt  }
0x7b: {  	_ =	shalt  }
0x7c: {  	_ =	shalt  }
0x7d: {  	_ =	shalt  }
0x7e: {  	_ =	shalt  }
0x7f: {  	_ =	shalt  }
0x80: {  	_ =	shalt  }
0x81: {  	_ =	shalt  }
0x82: {  	_ =	shalt  }
0x83: {  	_ =	shalt  }
0x84: {  	_ =	shalt  }
0x85: {  	_ =	shalt  }
0x86: {  	_ =	shalt  }
0x87: {  	_ =	shalt  }
.Lfunc_end0:
.L_simem_size_0:
called_computation.1_lowered:
.L_overlay_start_0:
0x88: {  	s2 =	sld [smem:$0x3FD9]  }
0x89: {  	s3 =	sld [smem:$0x3FFE];
	_ =	sdelay $0x1  }
0x8a: {  	s1 =	srdreg.scid  }
0x8b: {  	s0 =	sand.u32 $0x1, s1  }
0x8c: {  	s16 =	sshll.u32 s0, $0xA;
	s2 =	sadd.s32 s3, s2  }
0x8d: {  	s2 =	sadd.s32 s2, s16  }
0x8e: {  	[smem:$0x3FBC] =	sst s2  }
0x8f: {  	_ = 	snop  }
0x90: {  	(tm) =	ssettm $0x1  }
0x91: {  	s17 =	sld [smem:$0x3FFB];
	_ =	sdelay $0x3  }
0x92: {  	_ =	strace s17  }
0x93: {  	s2 =	sld [smem:$0x3FFC];
	_ =	sdelay $0x3  }
0x94: {  	_ =	strace s2  }
0x95: {  	s2 =	sld [smem:$0x3FFD];
	_ =	sdelay $0x3  }
0x96: {  	_ =	strace s2  }
0x97: {  	_ =	strace $0x8FFFFFFF  }
0x98: {  	s18 =	sld [smem:$0x3FDB];
	_ =	sdelay $0x1  }
0x99: {  	s19 =	simm.s32 $_scs_section_size  }
0x9a: {  	s4 =	simm.s32 $_size__tile_overlayer_lowered;
	s5 =	simm.s32 $_tile_overlayer_lowered  }
0x9b: {  	s22 =	simm.s32 $0x1BFF;
	s21 =	sshll.u32 s5, $0x1;
	s2 =	sadd.s32 s19, s18  }
0x9c: {  	s6 =	simm.s32 $0x0;
	s20 =	sshll.u32 s4, $0x1;
	s4 =	sadd.s32 s21, s2  }
0x9d: {  	[timem:s6], [sflag:s22] =	dma.local [hbm:s4], s20  }
0x9e: {  	_ =	swait.ge [sflag:s22], s20  }
0x9f: {  	s3 =	ssub.s32 $0x0, s20;
	[sflag:s22] =	ssyncset.done $0x0  }
0xa0: {  	[sflag:s22] =	ssyncadd.s32 s3;
	_ =	sdelay $0x1  }
0xa1: {  	s23 =	simm.s32 $0x1B8B  }
0xa2: {  	_ =	swait.ge [sflag:s23], $0x1  }
0xa3: {  	[sflag:s23] =	ssyncset.done $0x0  }
0xa4: {  	s25 =	simm.s32 $0x1B8E;
	s24 =	sld [smem:$0x3FFE];
	[sflag:s23] =	ssyncadd.s32 $0xFFFFFFFF  }
0xa5: {  	s26 =	simm.s32 $execute0_lowered;
	[smem:$0x3FD2] =	sst s25  }
0xa6: {  	s4 =	sshll.u32 s26, $0x1;
	_ =	strace $0x80000049;
	[dreg:$0x1] =	wrdreg $0xFFFFFFFF  }
0xa7: {  	s28 =	simm.s32 $_size_execute0_lowered;
	s2 =	sadd.s32 s2, s4;
	[dreg:$0x0] =	wrdreg $0x0  }
0xa8: {  	s4 =	sshll.u32 s28, $0x1;
	[dreg:$0x2] =	wrdreg s2  }
0xa9: {  	[dreg:$0x3] =	wrdreg s4  }
0xaa: {  	[dreg:$0x4] =	wrdreg $0xC0  }
0xab: {  	_ =	task [dreg:s6], $0x5FFFF  }
0xac: {  	[dreg:$0x1] =	wrdreg $0xFFFFFFFF  }
0xad: {  	[dreg:$0x0] =	wrdreg $0x60  }
0xae: {  	[dreg:$0x2] =	wrdreg s24  }
0xaf: {  	[dreg:$0x3] =	wrdreg $0x9  }
0xb0: {  	_ =	task.clear_ibuf [dreg:s6], $0x4FFFF;
	_ =	strace $0x90000049  }
0xb1: {  	s29 =	simm.s32 $0x9;
	_ =	strace $0x8000004B  }
0xb2: {  	_ =	swait.ge [sflag:s29], $0x1  }
0xb3: {  	[sflag:s29] =	ssyncadd.s32 $0xFFFFFFFF  }
0xb4: {  	_ =	strace $0x9000004B  }
0xb5: {  	_ =	sfence  }
0xb6: {  	s30 =	sld [smem:$0x0];
	_ =	sdelay $0x2  }
0xb7: {  	s31 =	sshll.u32 s1, $0xD;
	s1 =	sshrl.u32 s1, $0x2  }
0xb8: {  	s3 =	sand.u32 $0x4000, s31;
	s1 =	sadd.s32 s1, s30  }
0xb9: {  	s0 =	sor.u32 s3, s0;
	s1 =	sshll.u32 s1, $0x11  }
0xba: {  	s0 =	sor.u32 s1, s0  }
0xbb: {  	s0 =	sadd.s32 $0x8F2B, s0  }
0xbc: {  	[sflag:s0] =	ssyncadd.remote.s32 $0x1  }
0xbd: {  	_ =	sfence.sel $0xFFFF  }
0xbe: {  	[dreg:$0x0] =	wrdreg $0xFFFFFFFF;
	(pc) =	sbr.abs _section_cstart, $3  }
0xbf: {  	[dreg:$0x1] =	wrdreg $0xFFFFFFFF  }
0xc0: {  	_ =	task.clear_ibuf [dreg:s6], $0x2FFFF;
	_ =	strace $0x9FFFFFFF  }
0xc1: {  	(tm) =	ssettm $0x7FFFFFFF  }
tec
execute0_lowered:
.L_overlay_start_1:
0x0: {  	(tag) =	ssettag $0x1  }
0x1: {  	s0 =	srdreg.scid  }
0x2: {  	s1 =	sshll.u32 s0, $0x4  }
0x3: {  	s0 =	stileid.u32;
	s1 =	sand.u32 $0x10, s1  }
0x4: {  	s1 =	sor.u32 s0, s1  }
0x5: {  	s2 =	smin.u32 s1, $0x12  }
0x6: {  	s2 =	sadd.s32 s1, s2  }
0x7: {  	p0 =	slt.u32 s1, $0x12;
	s1 =	simm.s32 $0x140;
	s2 =	smul.u32 $0xA0, s2  }
0x8: {  	s1 =	simm.s32 @!p0 $0xA0  }
0x9: {  	s1 =	sadd.s32 s1, s2  }
0xa: {  	s3 =	smin.u32 s1, $0x1F40  }
0xb: {  	s7 =	ssub.s32 s3, s2  }
0xc: {  	p0 =	sgt.s32 s7, $0x0  }
0xd: {  	s7 =	simm.s32 @!p0 $0x0  }
0xe: {  	s31 =	smul.u32 $0xCCCD, s7  }
0xf: {  	s4 =	rddreg [dreg:$0x0];
	s6 =	simm.s32 $0x1  }
0x10: {  	s10 =	simm.s32 $0x3;
	s13 =	simm.s32 $0x0;
	s8 =	sshrl.u32 s31, $0x17  }
0x11: {  	s12 =	simm.s32 $0x0;
	s5 =	sadd.s32 $0x3EC00, s4;
	s9 =	smul.u32 $0xA0, s8  }
.Ltmp0:
0x12: {  	s11 =	smov.u32 s2;
	s1 =	rddreg [dreg:$0x1];
	(pc) =	sbr.rel .LBB2_1-.Ltmp0, $4  }
0x13: {  	_ =	strace $0x8000004A;
	p0 =	sne.s32 s7, s9;
	s9 =	simm.s32 $0x1  }
0x14: {  	[sflag:s6] =	ssyncpa.u1 $0x0;
	s7 =	simm.s32 $0x2;
	s9 =	simm.s32 @!p0 $0x0  }
0x15: {  	[sflag:s7] =	ssyncpa.u1 $0x0;
	p0 =	por $0x0, $0x0;
	s8 =	sadd.s32 s8, s9  }
0x16: {  	v0 =	vimm.s32 $0x0;
	vm0 =	vmmov $0xff;
	vm1 =	vcmask $0x3F20;
	s9 =	sadd.s32 $0x1F400, s4;
	[sflag:s10] =	ssyncpa.u1 $0x0;
	s10 =	sadd.s32 $0x1, s8  }
.LBB2_6:
0x17: {  	[hbm:s17] =	stream.linear.scatter [tilespmem:s14], [sflag:$0x3], $0x400, $0x38;
	[tilespmem:$0xA140] =	vst v63  }
.LBB2_7:
0x18: {  	s13 =	sadd.s32 $0xA0, s11  }
0x19: {  	s15 =	smov.u32 s2;
	p2 =	slt.s32 s13, s3  }
0x1a: {  	s15 =	smov.u32 @p2 s13;
	p2 =	sne.s32 s12, s10  }
.Ltmp1:
0x1b: {  	p1 =	slt.u32 s12, $0x2;
	(pc) =	sbr.rel @!p2 .LBB2_8-.Ltmp1, $4  }
0x1c: {  	s14 =	simm.s32 @!p1 $0x3  }
0x1d: {  	s16 =	sadd.s32 $0x1, s12;
	_ =	swait.ge @!p1 [sflag:s14], $0x5000  }
0x1e: {  	p0 =	por !p0, !p0;
	s13 =	smov.u32 s11;
	[sflag:s14] =	ssyncset.done @!p1 $0x0  }
0x1f: {  	s12 =	smov.u32 s16;
	s11 =	smov.u32 s15;
	[sflag:s14] =	ssyncadd.s32 @!p1 $0xFFFFB000  }
.LBB2_1:
0x20: {  	p1 =	sge.u32 s12, s8  }
0x21: {  	s14 =	sxor.u32 @!p1 $0xFFFFFFFF, s12  }
0x22: {  	s14 =	sand.u32 @!p1 $0x1, s14  }
0x23: {  	s14 =	smul.u32 @!p1 $0x280, s14  }
0x24: {  	s31 =	sadd.s32 $0xFFFFFFFF, s12;
	s15 =	sshrl.u32 @!p1 s11, $0x3  }
0x25: {  	s16 =	sand.u32 @!p1 $0x7, s11;
	s15 =	sadd.s32 @!p1 s5, s15;
	s14 =	sshrl.u32 @!p1 s14, $0x2  }
0x26: {  	[tilespmem:s14], [sflag:$0x2] =	stream.linear.gather @!p1 [hbm4b:s15+s16], $0xA0, $0x38;
	[tilespmem:$0xA140] =	vst v63  }
0x27: {  	p1 =	sge.u32 s31, s8  }
.Ltmp2:
0x28: {  	_ = 	snop;
	(pc) =	sbr.rel @p1 .LBB2_7-.Ltmp2, $1  }
0x29: {  	_ =	sdelay $0x3  }
0x2a: {  	s14 =	simm.s32 $0x1  }
0x2b: {  	s14 =	simm.s32 @!p0 $0x0  }
0x2c: {  	s15 =	smul.u32 $0x280, s14  }
0x2d: {  	_ =	swait.ge [sflag:s7], $0xA0  }
0x2e: {  	[sflag:s7] =	ssyncset.done $0x0;
	s16 =	sshrl.u32 s15, $0x2  }
0x2f: {  	[sflag:s7] =	ssyncadd.s32 $0xFFFFFF60;
	s15 =	sadd.s32 $0x0, s16  }
0x30: {  	v1 =	vld.msk [tilespmem:s15+$0x0 ss:$0x1], $0xffff;
	_ =	sdelay $0x4  }
0x31: {  	v2 =	vand.u32 $0x1, v1;
	v3 =	vshll.u32 v1, $0x6  }
0x32: {  	vm2 =	veq.s32 v1, $0x80000000;
	vm3 =	veq.s32 v2, $0x1;
	v1 =	vand.u32 $0x7FF80, v3  }
0x33: {  	v2 =	vsel vm3, $0x7D000, v0;
	v1 =	vsel vm2, $0xFFFFFF80, v1  }
0x34: {  	v2 =	vsel vm2, $0xFFF83000, v2;
	v3 =	vand.u32 $0xFFFFFC00, v1  }
0x35: {  	v1 =	vand.u32 $0x380, v1;
	v2 =	vadd.s32 v2, v3  }
0x36: {  	v1 =	vor.u32 v1, v2  }
0x37: {  	v1 =	vshrl.u32 v1, $0x3  }
0x38: {  	s14 =	smul.u32 $0x14000, s14;
	_ =	sdelay $0x1  }
0x39: {  	s14 =	sshrl.u32 s14, $0x2  }
0x3a: {  	s14 =	sor.u32 $0x140, s14  }
0x3b: {  	[tilespmem:s14], [sflag:$0x1] =	stream.indirect_vreg.gather [hbm:s4], $0x80, v1, vm0, $0x38;
	[tilespmem:$0xA140] =	vst v63  }
0x3c: {  	s17 =	sadd.s32 $0x10, s16;
	s15 =	sadd.s32 $0x400, s14  }
0x3d: {  	[tilespmem:s15], [sflag:$0x1] =	stream.indirect_vreg.gather [hbm:s4], $0x80, v1, vm1, $0x38;
	[tilespmem:$0xA140] =	vst v63  }
0x3e: {  	s18 =	simm.s32 $0x80;
	v1 =	vld.msk [tilespmem:s17+$0x0 ss:$0x1], $0xffff;
	s17 =	smov.u32 s14  }
.LBB2_3:
0x3f: {  	p1 =	sne.s32 s18, $0x240;
	_ =	sdelay $0x4  }
0x40: {  	v2 =	vand.u32 $0x1, v1;
	v3 =	vshll.u32 v1, $0x6  }
0x41: {  	vm2 =	veq.s32 v1, $0x80000000;
	vm3 =	veq.s32 v2, $0x1;
	v1 =	vand.u32 $0x7FF80, v3  }
0x42: {  	v2 =	vsel vm3, $0x7D000, v0;
	v1 =	vsel vm2, $0xFFFFFF80, v1  }
0x43: {  	v2 =	vsel vm2, $0xFFF83000, v2;
	v3 =	vand.u32 $0xFFFFFC00, v1  }
0x44: {  	v1 =	vand.u32 $0x380, v1;
	v2 =	vadd.s32 v2, v3  }
0x45: {  	v1 =	vor.u32 v1, v2  }
0x46: {  	v1 =	vshrl.u32 v1, $0x3;
	_ =	sdelay $0x3  }
.Ltmp3:
0x47: {  	s19 =	sshra.s32 s18, $0x2;
	s17 =	sadd.s32 $0x800, s17;
	(pc) =	sbr.rel @p1 .LBB2_3-.Ltmp3, $4  }
0x48: {  	[tilespmem:s17], [sflag:$0x1] =	stream.indirect_vreg.gather [hbm:s4], $0x80, v1, vm0, $0x38;
	[tilespmem:$0xA140] =	vst v63  }
0x49: {  	s19 =	sadd.s32 s19, s16;
	s20 =	sadd.s32 $0x400, s17  }
0x4a: {  	[tilespmem:s20], [sflag:$0x1] =	stream.indirect_vreg.gather [hbm:s4], $0x80, v1, vm1, $0x38;
	[tilespmem:$0xA140] =	vst v63  }
0x4b: {  	s18 =	sadd.s32 $0x40, s18;
	v1 =	vld.msk [tilespmem:s19+$0x0 ss:$0x1], $0xffff  }
0x4c: {  	_ =	sdelay $0x3  }
0x4d: {  	v2 =	vand.u32 $0x1, v1;
	v3 =	vshll.u32 v1, $0x6  }
0x4e: {  	vm2 =	veq.s32 v1, $0x80000000;
	vm3 =	veq.s32 v2, $0x1;
	v1 =	vand.u32 $0x7FF80, v3  }
0x4f: {  	v2 =	vsel vm3, $0x7D000, v0;
	v1 =	vsel vm2, $0xFFFFFF80, v1  }
0x50: {  	v2 =	vsel vm2, $0xFFF83000, v2;
	v3 =	vand.u32 $0xFFFFFC00, v1  }
0x51: {  	v1 =	vand.u32 $0x380, v1;
	v2 =	vadd.s32 v2, v3  }
0x52: {  	v1 =	vor.u32 v1, v2  }
0x53: {  	v1 =	vshrl.u32 v1, $0x3;
	_ =	sdelay $0x3  }
0x54: {  	s16 =	sadd.s32 $0x800, s17  }
0x55: {  	[tilespmem:s16], [sflag:$0x1] =	stream.indirect_vreg.gather [hbm:s4], $0x80, v1, vm0, $0x38;
	[tilespmem:$0xA140] =	vst v63  }
0x56: {  	s16 =	sadd.s32 $0x400, s16  }
0x57: {  	[tilespmem:s16], [sflag:$0x1] =	stream.indirect_vreg.gather [hbm:s4], $0x80, v1, vm1, $0x38;
	[tilespmem:$0xA140] =	vst v63  }
0x58: {  	s13 =	sshll.u32 s13, $0x4;
	_ =	swait.ge [sflag:s6], $0x5000  }
0x59: {  	s13 =	sadd.s32 s13, s9;
	[sflag:s6] =	ssyncset.done $0x0  }
0x5a: {  	s17 =	sadd.s32 $0x0, s13;
	s16 =	simm.s32 $0x80;
	[sflag:s6] =	ssyncadd.s32 $0xFFFFB000  }
.LBB2_5:
0x5b: {  	[hbm:s17] =	stream.linear.scatter [tilespmem:s14], [sflag:$0x3], $0x400, $0x38;
	[tilespmem:$0xA140] =	vst v63  }
0x5c: {  	s17 =	smov.u32 s16;
	s14 =	smov.u32 s15;
	p1 =	sne.s32 s16, $0x980  }
.Ltmp4:
0x5d: {  	s16 =	sadd.s32 $0x80, s16;
	(pc) =	sbr.rel @p1 .LBB2_5-.Ltmp4, $2  }
0x5e: {  	_ =	sdelay $0x2  }
0x5f: {  	s15 =	sadd.s32 $0x400, s15;
	s17 =	sadd.s32 s17, s13  }
.Ltmp5:
0x60: {  	_ = 	snop;
	(pc) =	sbr.rel .LBB2_6-.Ltmp5, $1  }
0x61: {  	_ =	sdelay $0x3  }
.LBB2_8:
0x62: {  	_ =	sfence.sel $0x180000  }
0x63: {  	s2 =	simm.s32 $0x2;
	[bflag:$0x0] =	sbarrier.arrive $0xFFFF  }
0x64: {  	s30 =	simm.s32 $0x3;
	[sflag:s2] =	ssyncpa.u1 $0x1  }
0x65: {  	s31 =	simm.s32 $0x1;
	[sflag:s30] =	ssyncpa.u1 $0x1  }
0x66: {  	[sflag:s31] =	ssyncpa.u1 $0x1  }
0x67: {  	p0 =	sne.s32 s0, $0x0;
	_ =	strace $0x9000004A  }
0x68: {  	s0 =	sadd.s32 @!p0 $0x100000, s1;
	[bflag:$0x2] =	sbarrier.arrive $0xFFFF  }
0x69: {  	[sflag:s0] =	ssyncadd.tile.s32 @!p0 $0x1;
	_ =	shalt  }
.Lfunc_end2:
_tile_overlayer_lowered:
.L_overlay_start_2:
0x6a: {  	(tag) =	ssettag $0x2  }
0x6b: {  	s0 =	rddreg [dreg:$0x0];
	s2 =	stileid.u32  }
0x6c: {  	s1 =	rddreg [dreg:$0x1];
	p0 =	sne.s32 s2, $0x0  }
0x6d: {  	s3 =	rddreg [dreg:$0x2];
	[bflag:$0x3] =	sbarrier.arrive $0xFFFF;
	s2 =	simm.s32 @!p0 $0x1C01  }
0x6e: {  	[timem:s3], [sflag:s2] =	dma.local @!p0 [hbm:s0], s1  }
0x6f: {  	s0 =	simm.s32 @!p0 $0x1  }
0x70: {  	_ =	swait.ge @!p0 [sflag:s0], s1  }
0x71: {  	s1 =	ssub.s32 @!p0 $0x0, s1;
	[sflag:s0] =	ssyncset.done @!p0 $0x0  }
0x72: {  	[sflag:s0] =	ssyncadd.s32 @!p0 s1  }
0x73: {  	[bflag:$0x3] =	sbarrier.arrive $0xFFFF  }
0x74: {  	_ =	shalt  }

// kernel: gather_offload_async_start
scs
__scs_entry_jumppad:
0x0: {  	(pc) =	sbr.rel $0x88, $3  }
0x1: {  	(tag) =	ssettag $0x0;
	lr =	simm.s32 $0x1  }
0x2: {  	[smem:$0x3F95] =	sst lr;
	_ =	strace $0xD0000000  }
0x3: {  	_ = 	snop  }
0x4: {  	_ = 	snop  }
0x5: {  	_ = 	snop  }
0x6: {  	_ = 	snop  }
0x7: {  	_ = 	snop  }
__scs_overlays_trampoline_lowered:
0x8: {  	[smem:$0x3FA4] =	sst s0  }
0x9: {  	[smem:$0x3FA5] =	sst s1  }
0xa: {  	[smem:$0x3FA6] =	sst s2  }
0xb: {  	[smem:$0x3FA7] =	sst s3  }
0xc: {  	[smem:$0x3FA8] =	sst s4  }
0xd: {  	[smem:$0x3FA9] =	sst s5  }
0xe: {  	[smem:$0x3FAA] =	sst s6  }
0xf: {  	[smem:$0x3FAB] =	sst s7  }
0x10: {  	[smem:$0x3FAC] =	sst s8  }
0x11: {  	[smem:$0x3FAD] =	sst s9;
	s0 =	simm.s32 @!p0 $0x0  }
0x12: {  	s1 =	sld [smem:$0x3F93];
	s0 =	simm.s32 @p0 $0x1  }
0x13: {  	[smem:$0x3FAE] =	sst s0;
	s0 =	simm.s32 @!p1 $0x0  }
0x14: {  	s2 =	sld [smem:$0x3F92];
	s0 =	simm.s32 @p1 $0x1  }
0x15: {  	[smem:$0x3FAF] =	sst s0;
	s0 =	simm.s32 @!p2 $0x0  }
0x16: {  	s3 =	sld [smem:$0x3FDB];
	s0 =	simm.s32 @p2 $0x1  }
0x17: {  	s4 =	simm.s32 $0x1BF5;
	[smem:$0x3FB1] =	sst s0  }
0x18: {  	s0 =	sld [smem:$0x3F94];
	_ =	swait.ge [sflag:s4], $0x0  }
0x19: {  	s7 =	sld [smem:$0x3F95]  }
0x1a: {  	s8 =	sadd.s32 $0xFFFFE003, lr  }
0x1b: {  	s9 =	sadd.s32 $0xFFFFFEF7, lr;
	s5 =	simm.s32 $0xFFFFFFFF;
	p2 =	slt.u32 s8, $0xFFFFF086  }
0x1c: {  	p1 =	slt.u32 s9, $0xF7A;
	s5 =	simm.s32 @!p2 $0x0  }
0x1d: {  	s5 =	simm.s32 @p1 $0x1;
	p0 =	seq.s32 s7, s2  }
0x1e: {  	s7 =	smul.u32 @!p0 $0xF7A, s2;
	p2 =	seq.s32 @!p0 s5, $0x0  }
0x1f: {  	s9 =	smul.u32 $0xF7A, s1;
	s8 =	simm.s32 @!p0 $0x1BF5;
	p2 =	por !p2, p0  }
0x20: {  	[sflag:s8] =	ssyncset.s32 @!p0 $0xFFFFF086;
	s6 =	sadd.s32 @!p0 s3, s7;
	s7 =	simm.s32 @!p0 $0x108  }
0x21: {  	s3 =	sadd.s32 s3, s9;
	s6 =	sadd.s32 @!p0 $0x88, s6;
	s7 =	simm.s32 @p2 $0x1082  }
0x22: {  	[simem:s7], [sflag:s8] =	dma.local @!p0 [hbm:s6], $0xF7A  }
0x23: {  	s9 =	sor.u32 $0xD0000000, s2;
	s6 =	simm.s32 $0x108;
	_ =	swait.ge @!p0 [sflag:s8], $0x0  }
0x24: {  	s3 =	sadd.s32 $0x88, s3;
	s6 =	simm.s32 @!p1 $0x1082;
	[sflag:s4] =	ssyncset.s32 $0xFFFFF086  }
0x25: {  	[simem:s6], [sflag:s4] =	dma.local [hbm:s3], $0xF7A  }
0x26: {  	[smem:$0x3F95] =	sst s1;
	(tag) =	ssettag s2;
	_ =	strace s9  }
0x27: {  	s1 =	sld [smem:$0x3FA5]  }
0x28: {  	s2 =	sld [smem:$0x3FA6]  }
0x29: {  	s4 =	sld [smem:$0x3FA8]  }
0x2a: {  	p0 =	seq.s32 s5, $0x0;
	s5 =	sld [smem:$0x3FA9]  }
0x2b: {  	s6 =	sld [smem:$0x3FAA]  }
0x2c: {  	s7 =	sld [smem:$0x3FAB]  }
0x2d: {  	s3 =	simm.s32 $0x108;
	s8 =	sld [smem:$0x3FAC]  }
0x2e: {  	s3 =	simm.s32 @!p0 $0x1082;
	s9 =	sld [smem:$0x3FAD]  }
0x2f: {  	lr =	sadd.s32 s0, s3;
	s0 =	sld [smem:$0x3FA4]  }
0x30: {  	s3 =	sld [smem:$0x3FA7]  }
0x31: {  	[smem:$0x3FB0] =	sst s10  }
0x32: {  	s10 =	sld [smem:$0x3FAE];
	_ =	sdelay $0x3  }
0x33: {  	p0 =	seq.s32 s10, $0x1;
	s10 =	sld [smem:$0x3FB0];
	_ =	sdelay $0x3  }
0x34: {  	[smem:$0x3FB0] =	sst s10  }
0x35: {  	s10 =	sld [smem:$0x3FAF];
	_ =	sdelay $0x3  }
0x36: {  	p1 =	seq.s32 s10, $0x1;
	s10 =	sld [smem:$0x3FB0];
	_ =	sdelay $0x3  }
0x37: {  	[smem:$0x3FB0] =	sst s10  }
0x38: {  	s10 =	sld [smem:$0x3FB1]  }
0x39: {  	_ = 	snop;
	(pc) =	sbr.ind lr, $3  }
0x3a: {  	_ = 	snop  }
0x3b: {  	_ = 	snop  }
0x3c: {  	p2 =	seq.s32 s10, $0x1;
	s10 =	sld [smem:$0x3FB0]  }
0x3d: {  	_ =	shalt  }
0x3e: {  	_ =	shalt  }
0x3f: {  	_ =	shalt  }
0x40: {  	_ =	shalt  }
0x41: {  	_ =	shalt  }
0x42: {  	_ =	shalt  }
0x43: {  	_ =	shalt  }
0x44: {  	_ =	shalt  }
0x45: {  	_ =	shalt  }
0x46: {  	_ =	shalt  }
0x47: {  	_ =	shalt  }
0x48: {  	_ =	shalt  }
0x49: {  	_ =	shalt  }
0x4a: {  	_ =	shalt  }
0x4b: {  	_ =	shalt  }
0x4c: {  	_ =	shalt  }
0x4d: {  	_ =	shalt  }
0x4e: {  	_ =	shalt  }
0x4f: {  	_ =	shalt  }
0x50: {  	_ =	shalt  }
0x51: {  	_ =	shalt  }
0x52: {  	_ =	shalt  }
0x53: {  	_ =	shalt  }
0x54: {  	_ =	shalt  }
0x55: {  	_ =	shalt  }
0x56: {  	_ =	shalt  }
0x57: {  	_ =	shalt  }
0x58: {  	_ =	shalt  }
0x59: {  	_ =	shalt  }
0x5a: {  	_ =	shalt  }
0x5b: {  	_ =	shalt  }
0x5c: {  	_ =	shalt  }
0x5d: {  	_ =	shalt  }
0x5e: {  	_ =	shalt  }
0x5f: {  	_ =	shalt  }
0x60: {  	_ =	shalt  }
0x61: {  	_ =	shalt  }
0x62: {  	_ =	shalt  }
0x63: {  	_ =	shalt  }
0x64: {  	_ =	shalt  }
0x65: {  	_ =	shalt  }
0x66: {  	_ =	shalt  }
0x67: {  	_ =	shalt  }
0x68: {  	_ =	shalt  }
0x69: {  	_ =	shalt  }
0x6a: {  	_ =	shalt  }
0x6b: {  	_ =	shalt  }
0x6c: {  	_ =	shalt  }
0x6d: {  	_ =	shalt  }
0x6e: {  	_ =	shalt  }
0x6f: {  	_ =	shalt  }
0x70: {  	_ =	shalt  }
0x71: {  	_ =	shalt  }
0x72: {  	_ =	shalt  }
0x73: {  	_ =	shalt  }
0x74: {  	_ =	shalt  }
0x75: {  	_ =	shalt  }
0x76: {  	_ =	shalt  }
0x77: {  	_ =	shalt  }
0x78: {  	_ =	shalt  }
0x79: {  	_ =	shalt  }
0x7a: {  	_ =	shalt  }
0x7b: {  	_ =	shalt  }
0x7c: {  	_ =	shalt  }
0x7d: {  	_ =	shalt  }
0x7e: {  	_ =	shalt  }
0x7f: {  	_ =	shalt  }
0x80: {  	_ =	shalt  }
0x81: {  	_ =	shalt  }
0x82: {  	_ =	shalt  }
0x83: {  	_ =	shalt  }
0x84: {  	_ =	shalt  }
0x85: {  	_ =	shalt  }
0x86: {  	_ =	shalt  }
0x87: {  	_ =	shalt  }
.Lfunc_end0:
.L_simem_size_0:
called_computation_lowered:
.L_overlay_start_0:
0x88: {  	s2 =	sld [smem:$0x3FD9]  }
0x89: {  	s3 =	sld [smem:$0x3FFE];
	_ =	sdelay $0x1  }
0x8a: {  	s1 =	srdreg.scid  }
0x8b: {  	s0 =	sand.u32 $0x1, s1  }
0x8c: {  	s17 =	sshll.u32 s0, $0xA;
	s2 =	sadd.s32 s3, s2  }
0x8d: {  	s2 =	sadd.s32 s2, s17  }
0x8e: {  	[smem:$0x3FBC] =	sst s2  }
0x8f: {  	_ = 	snop  }
0x90: {  	s2 =	sld [smem:$0x3FD0];
	(tm) =	ssettm $0x1  }
0x91: {  	s18 =	sld [smem:$0x3FFB];
	_ =	sdelay $0x3  }
0x92: {  	_ =	strace s18  }
0x93: {  	s3 =	sld [smem:$0x3FFC];
	_ =	sdelay $0x3  }
0x94: {  	_ =	strace s3  }
0x95: {  	s3 =	sld [smem:$0x3FFD];
	_ =	sdelay $0x3  }
0x96: {  	_ =	strace s3  }
0x97: {  	_ =	strace $0x8FFFFFFF  }
0x98: {  	s19 =	sld [smem:$0x3FDB];
	_ =	sdelay $0x1  }
0x99: {  	s4 =	simm.s32 $_scs_section_size  }
0x9a: {  	s5 =	simm.s32 $_size__tile_overlayer_lowered;
	s6 =	simm.s32 $_tile_overlayer_lowered  }
0x9b: {  	s22 =	simm.s32 $0x1BFF;
	s21 =	sshll.u32 s6, $0x1;
	s3 =	sadd.s32 s4, s19  }
0x9c: {  	s7 =	simm.s32 $0x0;
	s20 =	sshll.u32 s5, $0x1;
	s5 =	sadd.s32 s21, s3  }
0x9d: {  	[timem:s7], [sflag:s22] =	dma.local [hbm:s5], s20  }
0x9e: {  	_ =	swait.ge [sflag:s22], s20  }
0x9f: {  	s4 =	ssub.s32 $0x0, s20;
	[sflag:s22] =	ssyncset.done $0x0  }
0xa0: {  	[sflag:s22] =	ssyncadd.s32 s4;
	_ =	sdelay $0x1  }
0xa1: {  	s23 =	simm.s32 $0x1B8B  }
0xa2: {  	_ =	swait.ge [sflag:s23], $0x1  }
0xa3: {  	[sflag:s23] =	ssyncset.done $0x0  }
0xa4: {  	s25 =	simm.s32 $0x1B8E;
	s24 =	sld [smem:$0x3FFE];
	[sflag:s23] =	ssyncadd.s32 $0xFFFFFFFF  }
0xa5: {  	s26 =	simm.s32 $execute0_lowered;
	[smem:$0x3FD2] =	sst s25  }
0xa6: {  	s5 =	sshll.u32 s26, $0x1;
	_ =	strace $0x80000046;
	[dreg:$0x1] =	wrdreg $0xFFFFFFFF  }
0xa7: {  	s28 =	simm.s32 $_size_execute0_lowered;
	s3 =	sadd.s32 s3, s5;
	[dreg:$0x0] =	wrdreg $0x0  }
0xa8: {  	s5 =	sshll.u32 s28, $0x1;
	[dreg:$0x2] =	wrdreg s3  }
0xa9: {  	[dreg:$0x3] =	wrdreg s5  }
0xaa: {  	[dreg:$0x4] =	wrdreg $0xC0  }
0xab: {  	_ =	task [dreg:s7], $0x5FFFF  }
0xac: {  	[dreg:$0x1] =	wrdreg $0xFFFFFFFF  }
0xad: {  	[dreg:$0x0] =	wrdreg $0x60  }
0xae: {  	[dreg:$0x2] =	wrdreg s24  }
0xaf: {  	[dreg:$0x3] =	wrdreg s2  }
0xb0: {  	[dreg:$0x4] =	wrdreg $0x9  }
0xb1: {  	_ =	task.clear_ibuf [dreg:s7], $0x5FFFF;
	_ =	strace $0x90000046  }
0xb2: {  	s29 =	simm.s32 $0x9;
	_ =	strace $0x80000048  }
0xb3: {  	_ =	swait.ge [sflag:s29], $0x1  }
0xb4: {  	[sflag:s29] =	ssyncadd.s32 $0xFFFFFFFF  }
0xb5: {  	_ =	strace $0x90000048  }
0xb6: {  	_ =	sfence  }
0xb7: {  	s30 =	sld [smem:$0x0];
	_ =	sdelay $0x2  }
0xb8: {  	s31 =	sshll.u32 s1, $0xD;
	s1 =	sshrl.u32 s1, $0x2  }
0xb9: {  	s3 =	sand.u32 $0x4000, s31;
	s1 =	sadd.s32 s1, s30  }
0xba: {  	s0 =	sor.u32 s3, s0;
	s1 =	sshll.u32 s1, $0x11  }
0xbb: {  	s0 =	sor.u32 s1, s0  }
0xbc: {  	s0 =	sadd.s32 $0x8F2B, s0  }
0xbd: {  	[sflag:s0] =	ssyncadd.remote.s32 $0x1  }
0xbe: {  	_ =	sfence.sel $0xFFFF  }
0xbf: {  	[dreg:$0x0] =	wrdreg $0xFFFFFFFF;
	(pc) =	sbr.abs _section_cstart, $3  }
0xc0: {  	[dreg:$0x1] =	wrdreg $0xFFFFFFFF  }
0xc1: {  	_ =	task.clear_ibuf [dreg:s7], $0x2FFFF;
	_ =	strace $0x9FFFFFFF  }
0xc2: {  	(tm) =	ssettm $0x7FFFFFFF  }
0xc3: {  	_ =	shalt  }
tec
execute0_lowered:
.L_overlay_start_1:
0x0: {  	(tag) =	ssettag $0x1  }
0x1: {  	s0 =	srdreg.scid  }
0x2: {  	s1 =	sshll.u32 s0, $0x4  }
0x3: {  	s0 =	stileid.u32;
	s1 =	sand.u32 $0x10, s1  }
0x4: {  	s2 =	sor.u32 s0, s1  }
0x5: {  	s1 =	smin.u32 s2, $0x12  }
0x6: {  	s1 =	sadd.s32 s2, s1  }
0x7: {  	p0 =	slt.u32 s2, $0x12;
	s2 =	simm.s32 $0x140;
	s1 =	smul.u32 $0xA0, s1  }
0x8: {  	s2 =	simm.s32 @!p0 $0xA0  }
0x9: {  	s2 =	sadd.s32 s2, s1  }
0xa: {  	s3 =	smin.u32 s2, $0x1F40  }
0xb: {  	s7 =	ssub.s32 s3, s1  }
0xc: {  	p0 =	sgt.s32 s7, $0x0  }
0xd: {  	s7 =	simm.s32 @!p0 $0x0  }
0xe: {  	s4 =	rddreg [dreg:$0x0];
	s31 =	smul.u32 $0xCCCD, s7  }
0xf: {  	s5 =	rddreg [dreg:$0x1]  }
0x10: {  	s6 =	simm.s32 $0x1;
	s10 =	simm.s32 $0x3;
	s8 =	sshrl.u32 s31, $0x17  }
0x11: {  	s13 =	simm.s32 $0x0;
	s12 =	simm.s32 $0x0;
	s9 =	smul.u32 $0xA0, s8  }
.Ltmp0:
0x12: {  	s11 =	smov.u32 s1;
	s2 =	rddreg [dreg:$0x2];
	(pc) =	sbr.rel .LBB2_1-.Ltmp0, $4  }
0x13: {  	_ =	strace $0x80000047;
	p0 =	sne.s32 s7, s9;
	s9 =	simm.s32 $0x1  }
0x14: {  	[sflag:s6] =	ssyncpa.u1 $0x0;
	s7 =	simm.s32 $0x2;
	s9 =	simm.s32 @!p0 $0x0  }
0x15: {  	[sflag:s7] =	ssyncpa.u1 $0x0;
	p0 =	por $0x0, $0x0;
	s8 =	sadd.s32 s8, s9  }
0x16: {  	v0 =	vimm.s32 $0x0;
	vm0 =	vmmov $0xff;
	vm1 =	vcmask $0x3F20;
	s9 =	sadd.s32 $0x1F400, s4;
	[sflag:s10] =	ssyncpa.u1 $0x0;
	s10 =	sadd.s32 $0x1, s8  }
.LBB2_6:
0x17: {  	[hbm:s17] =	stream.linear.scatter [tilespmem:s14], [sflag:$0x3], $0x400, $0x38;
	[tilespmem:$0xA140] =	vst v63  }
.LBB2_7:
0x18: {  	s13 =	sadd.s32 $0xA0, s11  }
0x19: {  	s15 =	smov.u32 s1;
	p2 =	slt.s32 s13, s3  }
0x1a: {  	s15 =	smov.u32 @p2 s13;
	p2 =	sne.s32 s12, s10  }
.Ltmp1:
0x1b: {  	p1 =	slt.u32 s12, $0x2;
	(pc) =	sbr.rel @!p2 .LBB2_8-.Ltmp1, $4  }
0x1c: {  	s14 =	simm.s32 @!p1 $0x3  }
0x1d: {  	s16 =	sadd.s32 $0x1, s12;
	_ =	swait.ge @!p1 [sflag:s14], $0x5000  }
0x1e: {  	p0 =	por !p0, !p0;
	s13 =	smov.u32 s11;
	[sflag:s14] =	ssyncset.done @!p1 $0x0  }
0x1f: {  	s12 =	smov.u32 s16;
	s11 =	smov.u32 s15;
	[sflag:s14] =	ssyncadd.s32 @!p1 $0xFFFFB000  }
.LBB2_1:
0x20: {  	p1 =	sge.u32 s12, s8  }
0x21: {  	s14 =	sxor.u32 @!p1 $0xFFFFFFFF, s12  }
0x22: {  	s14 =	sand.u32 @!p1 $0x1, s14  }
0x23: {  	s14 =	smul.u32 @!p1 $0x280, s14  }
0x24: {  	s31 =	sadd.s32 $0xFFFFFFFF, s12;
	s15 =	sshrl.u32 @!p1 s11, $0x3  }
0x25: {  	s16 =	sand.u32 @!p1 $0x7, s11;
	s15 =	sadd.s32 @!p1 s5, s15;
	s14 =	sshrl.u32 @!p1 s14, $0x2  }
0x26: {  	[tilespmem:s14], [sflag:$0x2] =	stream.linear.gather @!p1 [hbm4b:s15+s16], $0xA0, $0x38;
	[tilespmem:$0xA140] =	vst v63  }
0x27: {  	p1 =	sge.u32 s31, s8  }
.Ltmp2:
0x28: {  	_ = 	snop;
	(pc) =	sbr.rel @p1 .LBB2_7-.Ltmp2, $1  }
0x29: {  	_ =	sdelay $0x3  }
0x2a: {  	s14 =	simm.s32 $0x1  }
0x2b: {  	s14 =	simm.s32 @!p0 $0x0  }
0x2c: {  	s15 =	smul.u32 $0x280, s14  }
0x2d: {  	_ =	swait.ge [sflag:s7], $0xA0  }
0x2e: {  	[sflag:s7] =	ssyncset.done $0x0;
	s16 =	sshrl.u32 s15, $0x2  }
0x2f: {  	[sflag:s7] =	ssyncadd.s32 $0xFFFFFF60;
	s15 =	sadd.s32 $0x0, s16  }
0x30: {  	v1 =	vld.msk [tilespmem:s15+$0x0 ss:$0x1], $0xffff;
	_ =	sdelay $0x4  }
0x31: {  	v2 =	vand.u32 $0x1, v1;
	v3 =	vshll.u32 v1, $0x6  }
0x32: {  	vm2 =	veq.s32 v1, $0x80000000;
	vm3 =	veq.s32 v2, $0x1;
	v1 =	vand.u32 $0x7FF80, v3  }
0x33: {  	v2 =	vsel vm3, $0x7D000, v0;
	v1 =	vsel vm2, $0xFFFFFF80, v1  }
0x34: {  	v2 =	vsel vm2, $0xFFF83000, v2;
	v3 =	vand.u32 $0xFFFFFC00, v1  }
0x35: {  	v1 =	vand.u32 $0x380, v1;
	v2 =	vadd.s32 v2, v3  }
0x36: {  	v1 =	vor.u32 v1, v2  }
0x37: {  	v1 =	vshrl.u32 v1, $0x3  }
0x38: {  	s14 =	smul.u32 $0x14000, s14;
	_ =	sdelay $0x1  }
0x39: {  	s14 =	sshrl.u32 s14, $0x2  }
0x3a: {  	s14 =	sor.u32 $0x140, s14  }
0x3b: {  	[tilespmem:s14], [sflag:$0x1] =	stream.indirect_vreg.gather [hbm:s4], $0x80, v1, vm0, $0x38;
	[tilespmem:$0xA140] =	vst v63  }
0x3c: {  	s17 =	sadd.s32 $0x10, s16;
	s15 =	sadd.s32 $0x400, s14  }
0x3d: {  	[tilespmem:s15], [sflag:$0x1] =	stream.indirect_vreg.gather [hbm:s4], $0x80, v1, vm1, $0x38;
	[tilespmem:$0xA140] =	vst v63  }
0x3e: {  	s18 =	simm.s32 $0x80;
	v1 =	vld.msk [tilespmem:s17+$0x0 ss:$0x1], $0xffff;
	s17 =	smov.u32 s14  }
.LBB2_3:
0x3f: {  	p1 =	sne.s32 s18, $0x240;
	_ =	sdelay $0x4  }
0x40: {  	v2 =	vand.u32 $0x1, v1;
	v3 =	vshll.u32 v1, $0x6  }
0x41: {  	vm2 =	veq.s32 v1, $0x80000000;
	vm3 =	veq.s32 v2, $0x1;
	v1 =	vand.u32 $0x7FF80, v3  }
0x42: {  	v2 =	vsel vm3, $0x7D000, v0;
	v1 =	vsel vm2, $0xFFFFFF80, v1  }
0x43: {  	v2 =	vsel vm2, $0xFFF83000, v2;
	v3 =	vand.u32 $0xFFFFFC00, v1  }
0x44: {  	v1 =	vand.u32 $0x380, v1;
	v2 =	vadd.s32 v2, v3  }
0x45: {  	v1 =	vor.u32 v1, v2  }
0x46: {  	v1 =	vshrl.u32 v1, $0x3;
	_ =	sdelay $0x3  }
.Ltmp3:
0x47: {  	s19 =	sshra.s32 s18, $0x2;
	s17 =	sadd.s32 $0x800, s17;
	(pc) =	sbr.rel @p1 .LBB2_3-.Ltmp3, $4  }
0x48: {  	[tilespmem:s17], [sflag:$0x1] =	stream.indirect_vreg.gather [hbm:s4], $0x80, v1, vm0, $0x38;
	[tilespmem:$0xA140] =	vst v63  }
0x49: {  	s19 =	sadd.s32 s19, s16;
	s20 =	sadd.s32 $0x400, s17  }
0x4a: {  	[tilespmem:s20], [sflag:$0x1] =	stream.indirect_vreg.gather [hbm:s4], $0x80, v1, vm1, $0x38;
	[tilespmem:$0xA140] =	vst v63  }
0x4b: {  	s18 =	sadd.s32 $0x40, s18;
	v1 =	vld.msk [tilespmem:s19+$0x0 ss:$0x1], $0xffff  }
0x4c: {  	_ =	sdelay $0x3  }
0x4d: {  	v2 =	vand.u32 $0x1, v1;
	v3 =	vshll.u32 v1, $0x6  }
0x4e: {  	vm2 =	veq.s32 v1, $0x80000000;
	vm3 =	veq.s32 v2, $0x1;
	v1 =	vand.u32 $0x7FF80, v3  }
0x4f: {  	v2 =	vsel vm3, $0x7D000, v0;
	v1 =	vsel vm2, $0xFFFFFF80, v1  }
0x50: {  	v2 =	vsel vm2, $0xFFF83000, v2;
	v3 =	vand.u32 $0xFFFFFC00, v1  }
0x51: {  	v1 =	vand.u32 $0x380, v1;
	v2 =	vadd.s32 v2, v3  }
0x52: {  	v1 =	vor.u32 v1, v2  }
0x53: {  	v1 =	vshrl.u32 v1, $0x3;
	_ =	sdelay $0x3  }
0x54: {  	s16 =	sadd.s32 $0x800, s17  }
0x55: {  	[tilespmem:s16], [sflag:$0x1] =	stream.indirect_vreg.gather [hbm:s4], $0x80, v1, vm0, $0x38;
	[tilespmem:$0xA140] =	vst v63  }
0x56: {  	s16 =	sadd.s32 $0x400, s16  }
0x57: {  	[tilespmem:s16], [sflag:$0x1] =	stream.indirect_vreg.gather [hbm:s4], $0x80, v1, vm1, $0x38;
	[tilespmem:$0xA140] =	vst v63  }
0x58: {  	s13 =	sshll.u32 s13, $0x4;
	_ =	swait.ge [sflag:s6], $0x5000  }
0x59: {  	s13 =	sadd.s32 s13, s9;
	[sflag:s6] =	ssyncset.done $0x0  }
0x5a: {  	s17 =	sadd.s32 $0x0, s13;
	s16 =	simm.s32 $0x80;
	[sflag:s6] =	ssyncadd.s32 $0xFFFFB000  }
.LBB2_5:
0x5b: {  	[hbm:s17] =	stream.linear.scatter [tilespmem:s14], [sflag:$0x3], $0x400, $0x38;
	[tilespmem:$0xA140] =	vst v63  }
0x5c: {  	s17 =	smov.u32 s16;
	s14 =	smov.u32 s15;
	p1 =	sne.s32 s16, $0x980  }
.Ltmp4:
0x5d: {  	s16 =	sadd.s32 $0x80, s16;
	(pc) =	sbr.rel @p1 .LBB2_5-.Ltmp4, $2  }
0x5e: {  	_ =	sdelay $0x2  }
0x5f: {  	s15 =	sadd.s32 $0x400, s15;
	s17 =	sadd.s32 s17, s13  }
.Ltmp5:
0x60: {  	_ = 	snop;
	(pc) =	sbr.rel .LBB2_6-.Ltmp5, $1  }
0x61: {  	_ =	sdelay $0x3  }
.LBB2_8:
0x62: {  	_ =	sfence.sel $0x180000  }
0x63: {  	s1 =	simm.s32 $0x2;
	[bflag:$0x0] =	sbarrier.arrive $0xFFFF  }
0x64: {  	s30 =	simm.s32 $0x3;
	[sflag:s1] =	ssyncpa.u1 $0x1  }
0x65: {  	s31 =	simm.s32 $0x1;
	[sflag:s30] =	ssyncpa.u1 $0x1  }
0x66: {  	[sflag:s31] =	ssyncpa.u1 $0x1  }
0x67: {  	p0 =	sne.s32 s0, $0x0;
	_ =	strace $0x90000047  }
0x68: {  	s0 =	sadd.s32 @!p0 $0x100000, s2;
	[bflag:$0x2] =	sbarrier.arrive $0xFFFF  }
0x69: {  	[sflag:s0] =	ssyncadd.tile.s32 @!p0 $0x1;
	_ =	shalt  }
.Lfunc_end2:
_tile_overlayer_lowered:
.L_overlay_start_2:
0x6a: {  	(tag) =	ssettag $0x2  }
0x6b: {  	s0 =	rddreg [dreg:$0x0];
	s2 =	stileid.u32  }
0x6c: {  	s1 =	rddreg [dreg:$0x1];
	p0 =	sne.s32 s2, $0x0  }
0x6d: {  	s3 =	rddreg [dreg:$0x2];
	[bflag:$0x3] =	sbarrier.arrive $0xFFFF;
	s2 =	simm.s32 @!p0 $0x1C01  }
0x6e: {  	[timem:s3], [sflag:s2] =	dma.local @!p0 [hbm:s0], s1  }
0x6f: {  	s0 =	simm.s32 @!p0 $0x1  }
0x70: {  	_ =	swait.ge @!p0 [sflag:s0], s1  }
0x71: {  	s1 =	ssub.s32 @!p0 $0x0, s1;
	[sflag:s0] =	ssyncset.done @!p0 $0x0  }
0x72: {  	[sflag:s0] =	ssyncadd.s32 @!p0 s1  }
0x73: {  	[bflag:$0x3] =	sbarrier.arrive $0xFFFF  }
0x74: {  	_ =	shalt  }

</sc_bundles>
